<compile_context>
chip_gen: v7x
topology: tpu7x:2x2x1
jax: 0.10.2.dev20260603
libtpu: 0.0.44.dev20260713+nightly
codegen_flags: <defaults>
</compile_context>

<pallas_src>
import functools
import jax
import jax.numpy as jnp
from jax import lax
from jax.experimental import pallas as pl
from jax.experimental.pallas import tpu as pltpu
from jax.experimental.pallas import tpu_sc as plsc

_B, _FL, _ML = 16, 2048, 256
_F, _H, _VE, _V = 128, 128, 32, 64
_NH, _DH, _DFF = 4, 32, 512
_BF = jnp.bfloat16

_NC, _NS = 2, 16
_ROWS_PER_CORE = _B // _NC
_SEGS_PER_CORE = _ROWS_PER_CORE * _ML
_FRAMES_PER_SUB = _B * _FL // (_NC * _NS)
_CHUNK = 128
_NCHUNK = _FRAMES_PER_SUB // _CHUNK


def _sc_body(feat_hbm, ids_hbm, sums_hbm, buf, idbuf, zbuf, acc):
    c = lax.axis_index("c")
    s = lax.axis_index("s")
    local_row = s // 2
    half = s % 2
    row = _ROWS_PER_CORE * c + local_row
    frame_start = row * _FL + half * (_FL // 2)
    seg_off = local_row * _ML

    @pl.loop(0, _CHUNK)
    def _(i):
        @pl.loop(0, _F // 16)
        def _(j):
            zbuf[i, pl.ds(j * 16, 16)] = jnp.zeros((16,), jnp.float32)

    @pl.loop(0, _SEGS_PER_CORE // _NS // _CHUNK)
    def _(z):
        base = s * (_SEGS_PER_CORE // _NS) + z * _CHUNK
        pltpu.sync_copy(zbuf, acc.at[pl.ds(base, _CHUNK)])

    plsc.subcore_barrier()

    @pl.loop(0, _NCHUNK)
    def _(ci):
        start = frame_start + ci * _CHUNK
        pltpu.sync_copy(feat_hbm.at[pl.ds(start, _CHUNK)], buf)
        pltpu.sync_copy(ids_hbm.at[pl.ds(start, _CHUNK)], idbuf)

        @pl.loop(0, _CHUNK // 16)
        def _(j):
            idbuf[pl.ds(j * 16, 16)] = idbuf[pl.ds(j * 16, 16)] + seg_off

        pltpu.sync_copy(buf, acc.at[idbuf], add=True)

    plsc.subcore_barrier()

    out_base = c * _SEGS_PER_CORE + s * (_SEGS_PER_CORE // _NS)
    acc_base = s * (_SEGS_PER_CORE // _NS)

    @pl.loop(0, _SEGS_PER_CORE // _NS // _CHUNK)
    def _(z):
        pltpu.sync_copy(acc.at[pl.ds(acc_base + z * _CHUNK, _CHUNK)],
                        sums_hbm.at[pl.ds(out_base + z * _CHUNK, _CHUNK)])


def _sc_segment_sums(feat_flat, ids_flat):
    mesh = plsc.VectorSubcoreMesh(core_axis_name="c", subcore_axis_name="s")
    k = pl.kernel(
        _sc_body,
        out_type=jax.ShapeDtypeStruct((_B * _ML, _F), jnp.float32),
        mesh=mesh,
        scratch_types=[
            pltpu.VMEM((_CHUNK, _F), jnp.float32),
            pltpu.VMEM((_CHUNK,), jnp.int32),
            pltpu.VMEM((_CHUNK, _F), jnp.float32),
            pltpu.VMEM_SHARED((_SEGS_PER_CORE, _F), jnp.float32),
        ],
    )
    return k(feat_flat, ids_flat)


def _layer_norm(x, g, b):
    mu = jnp.mean(x, axis=-1, keepdims=True)
    d = x - mu
    var = jnp.mean(d * d, axis=-1, keepdims=True)
    return g * (d * jax.lax.rsqrt(var + 1e-5)) + b


def _bdot(a, b):
    return jnp.dot(a.astype(_BF), b.astype(_BF),
                   preferred_element_type=jnp.float32)


def _body(vid_ref, feat_ref, ssum_ref, mora_ref, emb_ref, Wpm_ref, bpm_ref,
          Wpf_ref, bpf_ref, Wq_ref, Wk_ref, Wv_ref, Wo_ref, ln1g_ref,
          ln1b_ref, W1_ref, b1_ref, W2_ref, b2_ref, ln2g_ref, ln2b_ref,
          Wpost_ref, bpost_ref, out_ref):
    feat = feat_ref[0].astype(_BF)
    ssum = ssum_ref[0]
    ids = mora_ref[0]
    ohT = (jax.lax.broadcasted_iota(jnp.int32, (_ML, _FL), 0) == ids
           ).astype(jnp.float32)
    cnt = jnp.sum(ohT, axis=1, keepdims=True)
    inv = jnp.where(cnt > 0, 1.0 / jnp.maximum(cnt, 1.0), 0.0)
    mora_feat = ssum * inv

    vids = vid_ref[0]
    voh = (jax.lax.broadcasted_iota(jnp.int32, (_ML, _V), 1) == vids
           ).astype(_BF)
    EW = _bdot(emb_ref[...], Wpm_ref[:_VE, :]).astype(_BF)
    mhA = jnp.dot(voh, EW, preferred_element_type=jnp.float32)
    mh = mhA + _bdot(mora_feat, Wpm_ref[_VE:, :]) + bpm_ref[...]

    scale = 1.0 / (_DH ** 0.5)
    Wk_eff = _bdot(Wpf_ref[...], Wk_ref[...]).astype(_BF)
    Wv_eff = _bdot(Wpf_ref[...], Wv_ref[...]).astype(_BF)
    bv = _bdot(bpf_ref[...], Wv_ref[...])
    k = jnp.dot(feat, Wk_eff,
                preferred_element_type=jnp.float32).astype(_BF)
    v = jnp.dot(feat, Wv_eff,
                preferred_element_type=jnp.float32).astype(_BF)
    q = _bdot(mh, Wq_ref[...] * scale).astype(_BF)

    ones_col = jnp.ones((_FL, 8), dtype=_BF)
    ctxs = []
    for h_i in range(_NH):
        sl = slice(h_i * _DH, (h_i + 1) * _DH)
        s = jax.lax.dot_general(q[:, sl], k[:, sl], (((1,), (1,)), ((), ())),
                                preferred_element_type=jnp.float32)
        e = jnp.exp(s.astype(_BF))
        viaug = jnp.concatenate([v[:, sl], ones_col], axis=1)
        cd = jnp.dot(e, viaug, preferred_element_type=jnp.float32)
        ctxs.append(cd[:, :_DH] * (1.0 / cd[:, _DH:_DH + 1]))
    ctx = jnp.concatenate(ctxs, axis=1) + bv

    h = mh + _bdot(ctx, Wo_ref[...])
    h = _layer_norm(h, ln1g_ref[...], ln1b_ref[...])
    ff = jnp.maximum(_bdot(h, W1_ref[...]) + b1_ref[...], 0.0)
    h2 = h + _bdot(ff, W2_ref[...]) + b2_ref[...]
    h2 = _layer_norm(h2, ln2g_ref[...], ln2b_ref[...])
    out_ref[0] = _bdot(h2, Wpost_ref[...]) + bpost_ref[...]


def kernel(vowel_ids, features, mora_index, emb, Wpm, bpm, Wpf, bpf, Wq, Wk,
           Wv, Wo, ln1_g, ln1_b, W1, b1, W2, b2, ln2_g, ln2_b, Wpost, bpost):
    B_, FL_, F_ = features.shape
    ML_ = vowel_ids.shape[1]

    feat_flat = features.reshape(B_ * FL_, F_)
    ids_flat = mora_index.astype(jnp.int32).reshape(B_ * FL_)
    sums = _sc_segment_sums(feat_flat, ids_flat).reshape(B_, ML_, F_)

    vid3 = vowel_ids.astype(jnp.int32).reshape(B_, ML_, 1)
    mora3 = mora_index.astype(jnp.int32).reshape(B_, 1, FL_)
    row = lambda x: x.reshape(1, -1)

    def full(arr):
        return pl.BlockSpec(arr.shape, lambda b: (0,) * arr.ndim)

    weights = [emb, Wpm, row(bpm), Wpf, row(bpf), Wq, Wk, Wv, Wo,
               row(ln1_g), row(ln1_b), W1, row(b1), W2, row(b2),
               row(ln2_g), row(ln2_b), Wpost, row(bpost)]

    out = pl.pallas_call(
        _body,
        grid=(B_,),
        in_specs=[
            pl.BlockSpec((1, ML_, 1), lambda b: (b, 0, 0)),
            pl.BlockSpec((1, FL_, F_), lambda b: (b, 0, 0)),
            pl.BlockSpec((1, ML_, F_), lambda b: (b, 0, 0)),
            pl.BlockSpec((1, 1, FL_), lambda b: (b, 0, 0)),
        ] + [full(w) for w in weights],
        out_specs=pl.BlockSpec((1, ML_, 8), lambda b: (b, 0, 0)),
        out_shape=jax.ShapeDtypeStruct((B_, ML_, 8), jnp.float32),
    )(vid3, features, sums, mora3, *weights)
    return out.reshape(B_, ML_, 2, 4)

# --- scband reference (transcript-rebuilt; emitter-appended) ---
"""Pipeline reference for scband-predictor-64321430225099 (READ-ONLY COPY).

The authoritative reference and input builder live on the scoring server;
editing this copy changes nothing except your own understanding.
"""

import jax, jax.numpy as jnp
import numpy as np

B, FL, ML = 16, 2048, 256
F, H, VE, V = 128, 128, 32, 64
NH, DH, DFF = 4, 32, 512


def _ln(x, g, b):
    mu = jnp.mean(x, axis=-1, keepdims=True)
    var = jnp.var(x, axis=-1, keepdims=True)
    return g * (x - mu) / jnp.sqrt(var + 1e-5) + b


def setup_inputs(seed: int = 0) -> dict:
    key = jax.random.key(seed)
    ks = jax.random.split(key, 24)
    s = 0.05
    inp = {}
    inp['vowel_ids'] = jax.random.randint(ks[0], (B, ML), 0, V)
    inp['features'] = jax.random.normal(ks[1], (B, FL, F), dtype=jnp.float32)
    # sorted per-row mora frame->mora assignment (monotone within each utterance)
    inp['mora_index'] = jnp.sort(jax.random.randint(ks[2], (B, FL), 0, ML), axis=-1)
    inp['emb'] = jax.random.normal(ks[3], (V, VE), dtype=jnp.float32) * s
    inp['Wpm'] = jax.random.normal(ks[4], (F + VE, H), dtype=jnp.float32) * s
    inp['bpm'] = jnp.zeros((H,), jnp.float32)
    inp['Wpf'] = jax.random.normal(ks[5], (F, H), dtype=jnp.float32) * s
    inp['bpf'] = jnp.zeros((H,), jnp.float32)
    inp['Wq'] = jax.random.normal(ks[6], (H, NH * DH), dtype=jnp.float32) * s
    inp['Wk'] = jax.random.normal(ks[7], (H, NH * DH), dtype=jnp.float32) * s
    inp['Wv'] = jax.random.normal(ks[8], (H, NH * DH), dtype=jnp.float32) * s
    inp['Wo'] = jax.random.normal(ks[9], (NH * DH, H), dtype=jnp.float32) * s
    inp['ln1_g'] = jnp.ones((H,), jnp.float32)
    inp['ln1_b'] = jnp.zeros((H,), jnp.float32)
    inp['W1'] = jax.random.normal(ks[10], (H, DFF), dtype=jnp.float32) * s
    inp['b1'] = jnp.zeros((DFF,), jnp.float32)
    inp['W2'] = jax.random.normal(ks[11], (DFF, H), dtype=jnp.float32) * s
    inp['b2'] = jnp.zeros((H,), jnp.float32)
    inp['ln2_g'] = jnp.ones((H,), jnp.float32)
    inp['ln2_b'] = jnp.zeros((H,), jnp.float32)
    inp['Wpost'] = jax.random.normal(ks[12], (H, 8), dtype=jnp.float32) * s
    inp['bpost'] = jnp.zeros((8,), jnp.float32)
    return inp


def reference(vowel_ids, features, mora_index, emb, Wpm, bpm, Wpf, bpf, Wq, Wk, Wv, Wo, ln1_g, ln1_b, W1, b1, W2, b2, ln2_g, ln2_b, Wpost, bpost):
    B_, FL_, F_ = features.shape
    ML_ = vowel_ids.shape[1]
    # aggregate_feature: scatter-mean frames -> moras (flattened with per-utterance offsets)
    offs = (jnp.arange(B_, dtype=mora_index.dtype) * ML_)[:, None]
    idx = (mora_index + offs).reshape(-1)
    flat = features.reshape(-1, F_)
    ssum = jax.ops.segment_sum(flat, idx, num_segments=B_ * ML_)
    cnt = jax.ops.segment_sum(jnp.ones((flat.shape[0],), jnp.float32), idx, num_segments=B_ * ML_)
    mora_feat = jnp.where(cnt[:, None] > 0, ssum / jnp.maximum(cnt[:, None], 1.0), 0.0)
    mora_feat = mora_feat.reshape(B_, ML_, F_)
    # vowel embedding lookup + concat + pre projections
    mv = jnp.take(emb, vowel_ids, axis=0)
    mh = jnp.concatenate([mv, mora_feat], axis=-1) @ Wpm + bpm
    fh = features @ Wpf + bpf
    # MMEncoder: cross-attention from mora stream (x_a) to frame stream (x_b) + FFN, pre/post LN residuals
    q = (mh @ Wq).reshape(B_, ML_, NH, DH).transpose(0, 2, 1, 3)
    k = (fh @ Wk).reshape(B_, FL_, NH, DH).transpose(0, 2, 1, 3)
    v = (fh @ Wv).reshape(B_, FL_, NH, DH).transpose(0, 2, 1, 3)
    att = jax.nn.softmax((q @ k.transpose(0, 1, 3, 2)) / jnp.sqrt(jnp.float32(DH)), axis=-1)
    ctx = (att @ v).transpose(0, 2, 1, 3).reshape(B_, ML_, NH * DH)
    h = _ln(mh + ctx @ Wo, ln1_g, ln1_b)
    h = _ln(h + jax.nn.relu(h @ W1 + b1) @ W2 + b2, ln2_g, ln2_b)
    out = (h @ Wpost + bpost).reshape(B_, ML_, 2, 4)
    return out

if __name__ == "__main__":
    import jax
    _d = setup_inputs()
    print(jax.jit(kernel)(*tuple(_d.values())))

</pallas_src>

<mosaic_0001>
#map = affine_map<(d0, d1) -> (0, 0)>
#map1 = affine_map<(d0, d1) -> (0)>
module attributes {stable_mosaic.version = 14 : i64} {
  func.func @_sc_body(%arg0: i32, %arg1: i32, %arg2: memref<32768x128xf32, #tpu.memory_space<hbm>>, %arg3: memref<32768xi32, #tpu.memory_space<hbm>>, %arg4: memref<4096x128xf32, #tpu.memory_space<hbm>>, %arg5: memref<128x128xf32, #tpu.memory_space<vmem>>, %arg6: memref<128xi32, #tpu.memory_space<vmem>>, %arg7: memref<128x128xf32, #tpu.memory_space<vmem>>, %arg8: memref<2048x128xf32, #tpu.memory_space<vmem_shared>>) attributes {dimension_semantics = [#tpu.dimension_semantics<core_parallel>, #tpu.dimension_semantics<subcore_parallel>], iteration_bounds = array<i64: 2, 16>, scalar_prefetch = 0 : i64, scratch_operands = 4 : i64, tpu.core_type = #tpu.core_type<sc_vector_subcore>, window_params = [{transform_indices = #map}, {transform_indices = #map1}, {transform_indices = #map}]} {
    %jit3A = arith.constant 2 : i32
    %div3A = arith.divsi %arg1, %jit3A : i32
    %sign3A = arith.constant 0 : i32
    %sign3A_0 = arith.cmpi sgt, %arg1, %sign3A : i32
    %sign3A_1 = arith.extui %sign3A_0 : i1 to i32
    %sign3A_2 = arith.constant 0 : i32
    %sign3A_3 = arith.cmpi slt, %arg1, %sign3A_2 : i32
    %sign3A_4 = arith.extui %sign3A_3 : i1 to i32
    %sign3A_5 = arith.subi %sign3A_1, %sign3A_4 : i32
    %sign3A_6 = arith.constant 0 : i32
    %sign3A_7 = arith.cmpi sgt, %jit3A, %sign3A_6 : i32
    %sign3A_8 = arith.extui %sign3A_7 : i1 to i32
    %sign3A_9 = arith.constant 0 : i32
    %sign3A_10 = arith.cmpi slt, %jit3A, %sign3A_9 : i32
    %sign3A_11 = arith.extui %sign3A_10 : i1 to i32
    %sign3A_12 = arith.subi %sign3A_8, %sign3A_11 : i32
    %ne3A = arith.cmpi ne, %sign3A_5, %sign3A_12 : i32
    %rem3A = arith.remsi %arg1, %jit3A : i32
    %ne3A_13 = arith.constant 0 : i32
    %ne3A_14 = arith.cmpi ne, %rem3A, %ne3A_13 : i32
    %and3A = arith.andi %ne3A, %ne3A_14 : i1
    %sub3A = arith.constant 1 : i32
    %sub3A_15 = arith.subi %div3A, %sub3A : i32
    %select_n3A = arith.select %and3A, %sub3A_15, %div3A : i32
    %jit3A_16 = arith.constant 2 : i32
    %eq3A = arith.constant 0 : i32
    %eq3A_17 = arith.cmpi eq, %jit3A_16, %eq3A : i32
    %jit3A_18 = arith.constant 1 : i32
    %select_n3A_19 = arith.select %eq3A_17, %jit3A_18, %jit3A_16 : i32
    %rem3A_20 = arith.remsi %arg1, %select_n3A_19 : i32
    %ne3A_21 = arith.constant 0 : i32
    %ne3A_22 = arith.cmpi ne, %rem3A_20, %ne3A_21 : i32
    %lt3A = arith.constant 0 : i32
    %lt3A_23 = arith.cmpi slt, %rem3A_20, %lt3A : i32
    %lt3A_24 = arith.constant 0 : i32
    %lt3A_25 = arith.cmpi slt, %select_n3A_19, %lt3A_24 : i32
    %ne3A_26 = arith.xori %lt3A_23, %lt3A_25 : i1
    %and3A_27 = arith.andi %ne3A_26, %ne3A_22 : i1
    %add3A = arith.addi %rem3A_20, %select_n3A_19 : i32
    %select_n3A_28 = arith.select %and3A_27, %add3A, %rem3A_20 : i32
    %mul3A = arith.constant 8 : i32
    %mul3A_29 = arith.muli %mul3A, %arg0 : i32
    %add3A_30 = arith.addi %mul3A_29, %select_n3A : i32
    %mul3A_31 = arith.constant 2048 : i32
    %mul3A_32 = arith.muli %add3A_30, %mul3A_31 : i32
    %mul3A_33 = arith.constant 1024 : i32
    %mul3A_34 = arith.muli %select_n3A_28, %mul3A_33 : i32
    %add3A_35 = arith.addi %mul3A_32, %mul3A_34 : i32
    %mul3A_36 = arith.constant 256 : i32
    %mul3A_37 = arith.muli %select_n3A, %mul3A_36 : i32
    %scan3A = arith.constant 0 : i32
    %scan3A_38 = arith.constant 128 : i32
    %scan3A_39 = arith.addi %scan3A, %scan3A_38 : i32
    %scan3A_40 = arith.constant 1 : i32
    scf.for %scan3A_78 = %scan3A to %scan3A_39 step %scan3A_40  : i32 {
      %mul3A_79 = arith.constant 1 : i32
      %mul3A_80 = arith.muli %scan3A_78, %mul3A_79 : i32
      %add3A_81 = arith.constant 0 : i32
      %add3A_82 = arith.addi %add3A_81, %mul3A_80 : i32
      %scan3A_83 = arith.constant 0 : i32
      %scan3A_84 = arith.constant 8 : i32
      %scan3A_85 = arith.addi %scan3A_83, %scan3A_84 : i32
      %scan3A_86 = arith.constant 1 : i32
      scf.for %scan3A_88 = %scan3A_83 to %scan3A_85 step %scan3A_86  : i32 {
        %mul3A_89 = arith.constant 1 : i32
        %mul3A_90 = arith.muli %scan3A_88, %mul3A_89 : i32
        %add3A_91 = arith.constant 0 : i32
        %add3A_92 = arith.addi %add3A_91, %mul3A_90 : i32
        %broadcast_in_dim3A = arith.constant 0.000000e+00 : f32
        %broadcast_in_dim3A_93 = vector.broadcast %broadcast_in_dim3A : f32 to vector<16xf32>
        %mul3A_94 = arith.constant 16 : i32
        %mul3A_95 = arith.muli %add3A_92, %mul3A_94 : i32
        %swap3A = arith.index_cast %add3A_82 : i32 to index
        %swap3A_96 = arith.index_cast %mul3A_95 : i32 to index
        %swap3A_97 = tpu.vector_load %arg7[%swap3A, %swap3A_96] {strides = array<i32>} : memref<128x128xf32, #tpu.memory_space<vmem>>, vector<1x16xf32>,
        %swap3A_98 = vector.shape_cast %swap3A_97 : vector<1x16xf32> to vector<16xf32>
        %swap3A_99 = vector.shape_cast %broadcast_in_dim3A_93 : vector<16xf32> to vector<1x16xf32>
        tpu.vector_store %arg7[%swap3A, %swap3A_96], %swap3A_99 {strides = array<i32>} : memref<128x128xf32, #tpu.memory_space<vmem>>, vector<1x16xf32>,
      }
      %scan3A_87 = arith.constant 8 : i32
    }
    %scan3A_41 = arith.constant 128 : i32
    %scan3A_42 = arith.constant 0 : i32
    %mul3A_43 = arith.constant 1 : i32
    %mul3A_44 = arith.muli %scan3A_42, %mul3A_43 : i32
    %add3A_45 = arith.constant 0 : i32
    %add3A_46 = arith.addi %add3A_45, %mul3A_44 : i32
    %mul3A_47 = arith.constant 128 : i32
    %mul3A_48 = arith.muli %arg1, %mul3A_47 : i32
    %mul3A_49 = arith.constant 128 : i32
    %mul3A_50 = arith.muli %add3A_46, %mul3A_49 : i32
    %add3A_51 = arith.addi %mul3A_48, %mul3A_50 : i32
    "tpu.region"() ({
      %run_scoped3A = tpu.sem_alloc : memref<!tpu.dma_semaphore, #tpu.memory_space<semaphore_mem>>
      %dma_start3A = arith.constant 0 : i32
      %dma_start3A_78 = tpu.memref_slice %arg8[%add3A_51, %dma_start3A] : memref<2048x128xf32, #tpu.memory_space<vmem_shared>> -> memref<128x128xf32, #tpu.memory_space<vmem_shared>>
      %dma_start3A_79 = arith.constant 0 : i32
      %dma_start3A_80 = tpu.memref_slice %arg8[%add3A_51, %dma_start3A_79] : memref<2048x128xf32, #tpu.memory_space<vmem_shared>> -> memref<128x128xf32, #tpu.memory_space<vmem_shared>>
      tpu.enqueue_dma source(%arg7 : memref<128x128xf32, #tpu.memory_space<vmem>>) target(%dma_start3A_80 : memref<128x128xf32, #tpu.memory_space<vmem_shared>>) target_semaphore(%run_scoped3A : memref<!tpu.dma_semaphore, #tpu.memory_space<semaphore_mem>>)
      %dma_wait3A = arith.constant 0 : i32
      %dma_wait3A_81 = tpu.memref_slice %arg8[%add3A_51, %dma_wait3A] : memref<2048x128xf32, #tpu.memory_space<vmem_shared>> -> memref<128x128xf32, #tpu.memory_space<vmem_shared>>
      %dma_wait3A_82 = arith.constant 0 : i32
      %dma_wait3A_83 = tpu.memref_slice %arg8[%add3A_51, %dma_wait3A_82] : memref<2048x128xf32, #tpu.memory_space<vmem_shared>> -> memref<128x128xf32, #tpu.memory_space<vmem_shared>>
      tpu.wait_dma2 semaphore(%run_scoped3A : memref<!tpu.dma_semaphore, #tpu.memory_space<semaphore_mem>>) src(%arg7 : memref<128x128xf32, #tpu.memory_space<vmem>>) dst(%dma_wait3A_83 : memref<128x128xf32, #tpu.memory_space<vmem_shared>>)
      tpu.yield
    }) : () -> ()
    %scan3A_52 = arith.constant 1 : i32
    %barrier3A = arith.constant 0 : index
    tpu.barrier barrier_id(%barrier3A)
    %scan3A_53 = arith.constant 0 : i32
    %scan3A_54 = arith.constant 8 : i32
    %scan3A_55 = arith.addi %scan3A_53, %scan3A_54 : i32
    %scan3A_56 = arith.constant 1 : i32
    scf.for %scan3A_78 = %scan3A_53 to %scan3A_55 step %scan3A_56  : i32 {
      %mul3A_79 = arith.constant 1 : i32
      %mul3A_80 = arith.muli %scan3A_78, %mul3A_79 : i32
      %add3A_81 = arith.constant 0 : i32
      %add3A_82 = arith.addi %add3A_81, %mul3A_80 : i32
      %mul3A_83 = arith.constant 128 : i32
      %mul3A_84 = arith.muli %add3A_82, %mul3A_83 : i32
      %add3A_85 = arith.addi %add3A_35, %mul3A_84 : i32
      "tpu.region"() ({
        %run_scoped3A = tpu.sem_alloc : memref<!tpu.dma_semaphore, #tpu.memory_space<semaphore_mem>>
        %dma_start3A = arith.constant 0 : i32
        %dma_start3A_91 = tpu.memref_slice %arg2[%add3A_85, %dma_start3A] : memref<32768x128xf32, #tpu.memory_space<hbm>> -> memref<128x128xf32, #tpu.memory_space<hbm>>
        %dma_start3A_92 = arith.constant 0 : i32
        %dma_start3A_93 = tpu.memref_slice %arg2[%add3A_85, %dma_start3A_92] : memref<32768x128xf32, #tpu.memory_space<hbm>> -> memref<128x128xf32, #tpu.memory_space<hbm>>
        tpu.enqueue_dma source(%dma_start3A_93 : memref<128x128xf32, #tpu.memory_space<hbm>>) target(%arg5 : memref<128x128xf32, #tpu.memory_space<vmem>>) target_semaphore(%run_scoped3A : memref<!tpu.dma_semaphore, #tpu.memory_space<semaphore_mem>>)
        %dma_wait3A = arith.constant 0 : i32
        %dma_wait3A_94 = tpu.memref_slice %arg2[%add3A_85, %dma_wait3A] : memref<32768x128xf32, #tpu.memory_space<hbm>> -> memref<128x128xf32, #tpu.memory_space<hbm>>
        %dma_wait3A_95 = arith.constant 0 : i32
        %dma_wait3A_96 = tpu.memref_slice %arg2[%add3A_85, %dma_wait3A_95] : memref<32768x128xf32, #tpu.memory_space<hbm>> -> memref<128x128xf32, #tpu.memory_space<hbm>>
        tpu.wait_dma2 semaphore(%run_scoped3A : memref<!tpu.dma_semaphore, #tpu.memory_space<semaphore_mem>>) src(%dma_wait3A_96 : memref<128x128xf32, #tpu.memory_space<hbm>>) dst(%arg5 : memref<128x128xf32, #tpu.memory_space<vmem>>)
        tpu.yield
      }) : () -> ()
      "tpu.region"() ({
        %run_scoped3A = tpu.sem_alloc : memref<!tpu.dma_semaphore, #tpu.memory_space<semaphore_mem>>
        %dma_start3A = tpu.memref_slice %arg3[%add3A_85] : memref<32768xi32, #tpu.memory_space<hbm>> -> memref<128xi32, #tpu.memory_space<hbm>>
        %dma_start3A_91 = tpu.memref_slice %arg3[%add3A_85] : memref<32768xi32, #tpu.memory_space<hbm>> -> memref<128xi32, #tpu.memory_space<hbm>>
        tpu.enqueue_dma source(%dma_start3A_91 : memref<128xi32, #tpu.memory_space<hbm>>) target(%arg6 : memref<128xi32, #tpu.memory_space<vmem>>) target_semaphore(%run_scoped3A : memref<!tpu.dma_semaphore, #tpu.memory_space<semaphore_mem>>)
        %dma_wait3A = tpu.memref_slice %arg3[%add3A_85] : memref<32768xi32, #tpu.memory_space<hbm>> -> memref<128xi32, #tpu.memory_space<hbm>>
        %dma_wait3A_92 = tpu.memref_slice %arg3[%add3A_85] : memref<32768xi32, #tpu.memory_space<hbm>> -> memref<128xi32, #tpu.memory_space<hbm>>
        tpu.wait_dma2 semaphore(%run_scoped3A : memref<!tpu.dma_semaphore, #tpu.memory_space<semaphore_mem>>) src(%dma_wait3A_92 : memref<128xi32, #tpu.memory_space<hbm>>) dst(%arg6 : memref<128xi32, #tpu.memory_space<vmem>>)
        tpu.yield
      }) : () -> ()
      %scan3A_86 = arith.constant 0 : i32
      %scan3A_87 = arith.constant 8 : i32
      %scan3A_88 = arith.addi %scan3A_86, %scan3A_87 : i32
      %scan3A_89 = arith.constant 1 : i32
      scf.for %scan3A_91 = %scan3A_86 to %scan3A_88 step %scan3A_89  : i32 {
        %mul3A_92 = arith.constant 1 : i32
        %mul3A_93 = arith.muli %scan3A_91, %mul3A_92 : i32
        %add3A_94 = arith.constant 0 : i32
        %add3A_95 = arith.addi %add3A_94, %mul3A_93 : i32
        %mul3A_96 = arith.constant 16 : i32
        %mul3A_97 = arith.muli %add3A_95, %mul3A_96 : i32
        %get3A = arith.index_cast %mul3A_97 : i32 to index
        %get3A_98 = tpu.vector_load %arg6[%get3A] {strides = array<i32>} : memref<128xi32, #tpu.memory_space<vmem>>, vector<16xi32>,
        %get3A_99 = vector.shape_cast %get3A_98 : vector<16xi32> to vector<16xi32>
        %add3A_100 = vector.broadcast %mul3A_37 : i32 to vector<16xi32>
        %add3A_101 = arith.addi %get3A_99, %add3A_100 : vector<16xi32>
        %mul3A_102 = arith.constant 16 : i32
        %mul3A_103 = arith.muli %add3A_95, %mul3A_102 : i32
        %swap3A = arith.index_cast %mul3A_103 : i32 to index
        %swap3A_104 = tpu.vector_load %arg6[%swap3A] {strides = array<i32>} : memref<128xi32, #tpu.memory_space<vmem>>, vector<16xi32>,
        %swap3A_105 = vector.shape_cast %swap3A_104 : vector<16xi32> to vector<16xi32>
        %swap3A_106 = vector.shape_cast %add3A_101 : vector<16xi32> to vector<16xi32>
        tpu.vector_store %arg6[%swap3A], %swap3A_106 {strides = array<i32>} : memref<128xi32, #tpu.memory_space<vmem>>, vector<16xi32>,
      }
      %scan3A_90 = arith.constant 8 : i32
      "tpu.region"() ({
        %run_scoped3A = tpu.sem_alloc : memref<!tpu.dma_semaphore, #tpu.memory_space<semaphore_mem>>
        %dma_start3A = arith.constant 0 : i32
        %dma_start3A_91 = arith.constant 0 : i32
        %dma_start3A_92 = tpu.memref_slice %arg8[%dma_start3A, %dma_start3A_91] : memref<2048x128xf32, #tpu.memory_space<vmem_shared>> -> memref<2048x128xf32, #tpu.memory_space<vmem_shared>>
        tpu.enqueue_indirect_dma source(%arg5 : memref<128x128xf32, #tpu.memory_space<vmem>>) target(%dma_start3A_92 : memref<2048x128xf32, #tpu.memory_space<vmem_shared>>) offsets(%arg6 : memref<128xi32, #tpu.memory_space<vmem>>) semaphore(%run_scoped3A : memref<!tpu.dma_semaphore, #tpu.memory_space<semaphore_mem>>) {add = true}
        %dma_wait3A = arith.constant 0 : i32
        %dma_wait3A_93 = arith.constant 0 : i32
        %dma_wait3A_94 = tpu.memref_slice %arg8[%dma_wait3A, %dma_wait3A_93] : memref<2048x128xf32, #tpu.memory_space<vmem_shared>> -> memref<2048x128xf32, #tpu.memory_space<vmem_shared>>
        tpu.wait_indirect_dma semaphore(%run_scoped3A : memref<!tpu.dma_semaphore, #tpu.memory_space<semaphore_mem>>) src(%arg5 : memref<128x128xf32, #tpu.memory_space<vmem>>) dst(%dma_wait3A_94 : memref<2048x128xf32, #tpu.memory_space<vmem_shared>>)
        tpu.yield
      }) : () -> ()
    }
    %scan3A_57 = arith.constant 8 : i32
    %barrier3A_58 = arith.constant 0 : index
    tpu.barrier barrier_id(%barrier3A_58)
    %mul3A_59 = arith.constant 2048 : i32
    %mul3A_60 = arith.muli %arg0, %mul3A_59 : i32
    %mul3A_61 = arith.constant 128 : i32
    %mul3A_62 = arith.muli %arg1, %mul3A_61 : i32
    %add3A_63 = arith.addi %mul3A_60, %mul3A_62 : i32
    %mul3A_64 = arith.constant 128 : i32
    %mul3A_65 = arith.muli %arg1, %mul3A_64 : i32
    %scan3A_66 = arith.constant 0 : i32
    %mul3A_67 = arith.constant 1 : i32
    %mul3A_68 = arith.muli %scan3A_66, %mul3A_67 : i32
    %add3A_69 = arith.constant 0 : i32
    %add3A_70 = arith.addi %add3A_69, %mul3A_68 : i32
    %mul3A_71 = arith.constant 128 : i32
    %mul3A_72 = arith.muli %add3A_70, %mul3A_71 : i32
    %add3A_73 = arith.addi %mul3A_65, %mul3A_72 : i32
    %mul3A_74 = arith.constant 128 : i32
    %mul3A_75 = arith.muli %add3A_70, %mul3A_74 : i32
    %add3A_76 = arith.addi %add3A_63, %mul3A_75 : i32
    "tpu.region"() ({
      %run_scoped3A = tpu.sem_alloc : memref<!tpu.dma_semaphore, #tpu.memory_space<semaphore_mem>>
      %dma_start3A = arith.constant 0 : i32
      %dma_start3A_78 = tpu.memref_slice %arg4[%add3A_76, %dma_start3A] : memref<4096x128xf32, #tpu.memory_space<hbm>> -> memref<128x128xf32, #tpu.memory_space<hbm>>
      %dma_start3A_79 = arith.constant 0 : i32
      %dma_start3A_80 = tpu.memref_slice %arg8[%add3A_73, %dma_start3A_79] : memref<2048x128xf32, #tpu.memory_space<vmem_shared>> -> memref<128x128xf32, #tpu.memory_space<vmem_shared>>
      tpu.enqueue_dma source(%dma_start3A_80 : memref<128x128xf32, #tpu.memory_space<vmem_shared>>) target(%dma_start3A_78 : memref<128x128xf32, #tpu.memory_space<hbm>>) target_semaphore(%run_scoped3A : memref<!tpu.dma_semaphore, #tpu.memory_space<semaphore_mem>>)
      %dma_wait3A = arith.constant 0 : i32
      %dma_wait3A_81 = tpu.memref_slice %arg4[%add3A_76, %dma_wait3A] : memref<4096x128xf32, #tpu.memory_space<hbm>> -> memref<128x128xf32, #tpu.memory_space<hbm>>
      %dma_wait3A_82 = arith.constant 0 : i32
      %dma_wait3A_83 = tpu.memref_slice %arg8[%add3A_73, %dma_wait3A_82] : memref<2048x128xf32, #tpu.memory_space<vmem_shared>> -> memref<128x128xf32, #tpu.memory_space<vmem_shared>>
      tpu.wait_dma2 semaphore(%run_scoped3A : memref<!tpu.dma_semaphore, #tpu.memory_space<semaphore_mem>>) src(%dma_wait3A_83 : memref<128x128xf32, #tpu.memory_space<vmem_shared>>) dst(%dma_wait3A_81 : memref<128x128xf32, #tpu.memory_space<hbm>>)
      tpu.yield
    }) : () -> ()
    %scan3A_77 = arith.constant 1 : i32
    return
  }
}

module attributes {stable_mosaic.version = 14 : i64} {
  func.func @_body(%arg0: i32, %arg1: memref<1x256x1xi32, #tpu.memory_space<vmem>>, %arg2: memref<1x2048x128xf32, #tpu.memory_space<vmem>>, %arg3: memref<1x256x128xf32, #tpu.memory_space<vmem>>, %arg4: memref<1x1x2048xi32, #tpu.memory_space<vmem>>, %arg5: memref<64x32xf32, #tpu.memory_space<vmem>>, %arg6: memref<160x128xf32, #tpu.memory_space<vmem>>, %arg7: memref<1x128xf32, #tpu.memory_space<vmem>>, %arg8: memref<128x128xf32, #tpu.memory_space<vmem>>, %arg9: memref<1x128xf32, #tpu.memory_space<vmem>>, %arg10: memref<128x128xf32, #tpu.memory_space<vmem>>, %arg11: memref<128x128xf32, #tpu.memory_space<vmem>>, %arg12: memref<128x128xf32, #tpu.memory_space<vmem>>, %arg13: memref<128x128xf32, #tpu.memory_space<vmem>>, %arg14: memref<1x128xf32, #tpu.memory_space<vmem>>, %arg15: memref<1x128xf32, #tpu.memory_space<vmem>>, %arg16: memref<128x512xf32, #tpu.memory_space<vmem>>, %arg17: memref<1x512xf32, #tpu.memory_space<vmem>>, %arg18: memref<512x128xf32, #tpu.memory_space<vmem>>, %arg19: memref<1x128xf32, #tpu.memory_space<vmem>>, %arg20: memref<1x128xf32, #tpu.memory_space<vmem>>, %arg21: memref<1x128xf32, #tpu.memory_space<vmem>>, %arg22: memref<128x8xf32, #tpu.memory_space<vmem>>, %arg23: memref<1x8xf32, #tpu.memory_space<vmem>>, %arg24: memref<1x256x8xf32, #tpu.memory_space<vmem>>) attributes {dimension_semantics = [#tpu.dimension_semantics<arbitrary>], iteration_bounds = array<i64: 16>, scalar_prefetch = 0 : i64, scratch_operands = 0 : i64, tpu.core_type = #tpu.core_type<tc>, window_params = [{transform_indices = @transform_0, window_bounds = array<i64: 1, 256, 1>}, {transform_indices = @transform_1, window_bounds = array<i64: 1, 2048, 128>}, {transform_indices = @transform_2, window_bounds = array<i64: 1, 256, 128>}, {transform_indices = @transform_3, window_bounds = array<i64: 1, 1, 2048>}, {pipeline_mode = #tpu.pipeline_mode<synchronous>, transform_indices = @transform_4, window_bounds = array<i64: 64, 32>}, {pipeline_mode = #tpu.pipeline_mode<synchronous>, transform_indices = @transform_5, window_bounds = array<i64: 160, 128>}, {pipeline_mode = #tpu.pipeline_mode<synchronous>, transform_indices = @transform_6, window_bounds = array<i64: 1, 128>}, {pipeline_mode = #tpu.pipeline_mode<synchronous>, transform_indices = @transform_7, window_bounds = array<i64: 128, 128>}, {pipeline_mode = #tpu.pipeline_mode<synchronous>, transform_indices = @transform_8, window_bounds = array<i64: 1, 128>}, {pipeline_mode = #tpu.pipeline_mode<synchronous>, transform_indices = @transform_9, window_bounds = array<i64: 128, 128>}, {pipeline_mode = #tpu.pipeline_mode<synchronous>, transform_indices = @transform_10, window_bounds = array<i64: 128, 128>}, {pipeline_mode = #tpu.pipeline_mode<synchronous>, transform_indices = @transform_11, window_bounds = array<i64: 128, 128>}, {pipeline_mode = #tpu.pipeline_mode<synchronous>, transform_indices = @transform_12, window_bounds = array<i64: 128, 128>}, {pipeline_mode = #tpu.pipeline_mode<synchronous>, transform_indices = @transform_13, window_bounds = array<i64: 1, 128>}, {pipeline_mode = #tpu.pipeline_mode<synchronous>, transform_indices = @transform_14, window_bounds = array<i64: 1, 128>}, {pipeline_mode = #tpu.pipeline_mode<synchronous>, transform_indices = @transform_15, window_bounds = array<i64: 128, 512>}, {pipeline_mode = #tpu.pipeline_mode<synchronous>, transform_indices = @transform_16, window_bounds = array<i64: 1, 512>}, {pipeline_mode = #tpu.pipeline_mode<synchronous>, transform_indices = @transform_17, window_bounds = array<i64: 512, 128>}, {pipeline_mode = #tpu.pipeline_mode<synchronous>, transform_indices = @transform_18, window_bounds = array<i64: 1, 128>}, {pipeline_mode = #tpu.pipeline_mode<synchronous>, transform_indices = @transform_19, window_bounds = array<i64: 1, 128>}, {pipeline_mode = #tpu.pipeline_mode<synchronous>, transform_indices = @transform_20, window_bounds = array<i64: 1, 128>}, {pipeline_mode = #tpu.pipeline_mode<synchronous>, transform_indices = @transform_21, window_bounds = array<i64: 128, 8>}, {pipeline_mode = #tpu.pipeline_mode<synchronous>, transform_indices = @transform_22, window_bounds = array<i64: 1, 8>}, {transform_indices = @transform_23, window_bounds = array<i64: 1, 256, 8>}]} {
    %get3A = arith.constant 0 : index
    %get3A_0 = arith.constant 0 : index
    %get3A_1 = arith.constant 0 : index
    %get3A_2 = vector.load %arg2[%get3A, %get3A_0, %get3A_1] : memref<1x2048x128xf32, #tpu.memory_space<vmem>>, vector<1x2048x128xf32>
    %get3A_3 = vector.shape_cast %get3A_2 : vector<1x2048x128xf32> to vector<2048x128xf32>
    %convert_element_type3A = arith.truncf %get3A_3 : vector<2048x128xf32> to vector<2048x128xbf16>
    %get3A_4 = arith.constant 0 : index
    %get3A_5 = arith.constant 0 : index
    %get3A_6 = arith.constant 0 : index
    %get3A_7 = vector.load %arg3[%get3A_4, %get3A_5, %get3A_6] : memref<1x256x128xf32, #tpu.memory_space<vmem>>, vector<1x256x128xf32>
    %get3A_8 = vector.shape_cast %get3A_7 : vector<1x256x128xf32> to vector<256x128xf32>
    %get3A_9 = arith.constant 0 : index
    %get3A_10 = arith.constant 0 : index
    %get3A_11 = arith.constant 0 : index
    %get3A_12 = vector.load %arg4[%get3A_9, %get3A_10, %get3A_11] : memref<1x1x2048xi32, #tpu.memory_space<vmem>>, vector<1x1x2048xi32>
    %get3A_13 = vector.shape_cast %get3A_12 : vector<1x1x2048xi32> to vector<1x2048xi32>
    %iota3A = tpu.iota {dimensions = array<i32: 0>} : vector<256x2048xi32>
    %eq3A = vector.broadcast %get3A_13 : vector<1x2048xi32> to vector<256x2048xi32>
    %eq3A_14 = arith.cmpi eq, %iota3A, %eq3A : vector<256x2048xi32>
    %convert_element_type3A_15 = arith.extui %eq3A_14 : vector<256x2048xi1> to vector<256x2048xi32>
    %convert_element_type3A_16 = arith.sitofp %convert_element_type3A_15 : vector<256x2048xi32> to vector<256x2048xf32>
    %reduce_sum3A = arith.constant dense<0.000000e+00> : vector<256xf32>
    %reduce_sum3A_17 = vector.multi_reduction <add>, %convert_element_type3A_16, %reduce_sum3A [1] : vector<256x2048xf32> to vector<256xf32>
    %broadcast_in_dim3A = vector.shape_cast %reduce_sum3A_17 : vector<256xf32> to vector<256x1xf32>
    %gt3A = arith.constant 0.000000e+00 : f32
    %gt3A_18 = vector.broadcast %gt3A : f32 to vector<256x1xf32>
    %gt3A_19 = arith.cmpf ogt, %broadcast_in_dim3A, %gt3A_18 : vector<256x1xf32>
    %max3A = arith.constant 1.000000e+00 : f32
    %max3A_20 = vector.broadcast %max3A : f32 to vector<256x1xf32>
    %max3A_21 = arith.maximumf %broadcast_in_dim3A, %max3A_20 : vector<256x1xf32>
    %div3A = arith.constant 1.000000e+00 : f32
    %div3A_22 = vector.broadcast %div3A : f32 to vector<256x1xf32>
    %div3A_23 = arith.divf %div3A_22, %max3A_21 : vector<256x1xf32>
    %jit3A = arith.constant 0.000000e+00 : f32
    %broadcast_in_dim3A_24 = vector.broadcast %jit3A : f32 to vector<256x1xf32>
    %select_n3A = arith.select %gt3A_19, %div3A_23, %broadcast_in_dim3A_24 : vector<256x1xi1>, vector<256x1xf32>
    %mul3A = vector.broadcast %select_n3A : vector<256x1xf32> to vector<256x128xf32>
    %mul3A_25 = arith.mulf %get3A_8, %mul3A : vector<256x128xf32>
    %get3A_26 = arith.constant 0 : index
    %get3A_27 = arith.constant 0 : index
    %get3A_28 = arith.constant 0 : index
    %get3A_29 = vector.load %arg1[%get3A_26, %get3A_27, %get3A_28] : memref<1x256x1xi32, #tpu.memory_space<vmem>>, vector<1x256x1xi32>
    %get3A_30 = vector.shape_cast %get3A_29 : vector<1x256x1xi32> to vector<256x1xi32>
    %iota3A_31 = tpu.iota {dimensions = array<i32: 1>} : vector<256x64xi32>
    %eq3A_32 = vector.broadcast %get3A_30 : vector<256x1xi32> to vector<256x64xi32>
    %eq3A_33 = arith.cmpi eq, %iota3A_31, %eq3A_32 : vector<256x64xi32>
    %convert_element_type3A_34 = arith.extui %eq3A_33 : vector<256x64xi1> to vector<256x64xi32>
    %convert_element_type3A_35 = arith.sitofp %convert_element_type3A_34 : vector<256x64xi32> to vector<256x64xf32>
    %convert_element_type3A_36 = arith.truncf %convert_element_type3A_35 : vector<256x64xf32> to vector<256x64xbf16>
    %get3A_37 = arith.constant 0 : index
    %get3A_38 = arith.constant 0 : index
    %get3A_39 = vector.load %arg5[%get3A_37, %get3A_38] : memref<64x32xf32, #tpu.memory_space<vmem>>, vector<64x32xf32>
    %get3A_40 = arith.constant 0 : index
    %get3A_41 = arith.constant 0 : index
    %get3A_42 = vector.load %arg6[%get3A_40, %get3A_41] : memref<160x128xf32, #tpu.memory_space<vmem>>, vector<32x128xf32>
    %convert_element_type3A_43 = arith.truncf %get3A_39 : vector<64x32xf32> to vector<64x32xbf16>
    %convert_element_type3A_44 = arith.truncf %get3A_42 : vector<32x128xf32> to vector<32x128xbf16>
    %dot_general3A = arith.constant dense<0.000000e+00> : vector<64x128xf32>
    %dot_general3A_45 = tpu.matmul %convert_element_type3A_43, %convert_element_type3A_44, %dot_general3A {dimension_numbers = #tpu.dot_dimension_numbers<[1], [0], [0], [1], [0, 0, 1, 1], [], []>, transpose_lhs_hint = false} : vector<64x32xbf16>, vector<32x128xbf16>, vector<64x128xf32> -> vector<64x128xf32>
    %convert_element_type3A_46 = arith.truncf %dot_general3A_45 : vector<64x128xf32> to vector<64x128xbf16>
    %dot_general3A_47 = arith.constant dense<0.000000e+00> : vector<256x128xf32>
    %dot_general3A_48 = tpu.matmul %convert_element_type3A_36, %convert_element_type3A_46, %dot_general3A_47 {dimension_numbers = #tpu.dot_dimension_numbers<[1], [0], [0], [1], [0, 0, 1, 1], [], []>, transpose_lhs_hint = false} : vector<256x64xbf16>, vector<64x128xbf16>, vector<256x128xf32> -> vector<256x128xf32>
    %get3A_49 = arith.constant 32 : index
    %get3A_50 = arith.constant 0 : index
    %get3A_51 = vector.load %arg6[%get3A_49, %get3A_50] : memref<160x128xf32, #tpu.memory_space<vmem>>, vector<128x128xf32>
    %convert_element_type3A_52 = arith.truncf %mul3A_25 : vector<256x128xf32> to vector<256x128xbf16>
    %convert_element_type3A_53 = arith.truncf %get3A_51 : vector<128x128xf32> to vector<128x128xbf16>
    %dot_general3A_54 = arith.constant dense<0.000000e+00> : vector<256x128xf32>
    %dot_general3A_55 = tpu.matmul %convert_element_type3A_52, %convert_element_type3A_53, %dot_general3A_54 {dimension_numbers = #tpu.dot_dimension_numbers<[1], [0], [0], [1], [0, 0, 1, 1], [], []>, transpose_lhs_hint = false} : vector<256x128xbf16>, vector<128x128xbf16>, vector<256x128xf32> -> vector<256x128xf32>
    %add3A = arith.addf %dot_general3A_48, %dot_general3A_55 : vector<256x128xf32>
    %get3A_56 = arith.constant 0 : index
    %get3A_57 = arith.constant 0 : index
    %get3A_58 = vector.load %arg7[%get3A_56, %get3A_57] : memref<1x128xf32, #tpu.memory_space<vmem>>, vector<1x128xf32>
    %add3A_59 = vector.broadcast %get3A_58 : vector<1x128xf32> to vector<256x128xf32>
    %add3A_60 = arith.addf %add3A, %add3A_59 : vector<256x128xf32>
    %get3A_61 = arith.constant 0 : index
    %get3A_62 = arith.constant 0 : index
    %get3A_63 = vector.load %arg8[%get3A_61, %get3A_62] : memref<128x128xf32, #tpu.memory_space<vmem>>, vector<128x128xf32>
    %get3A_64 = arith.constant 0 : index
    %get3A_65 = arith.constant 0 : index
    %get3A_66 = vector.load %arg11[%get3A_64, %get3A_65] : memref<128x128xf32, #tpu.memory_space<vmem>>, vector<128x128xf32>
    %convert_element_type3A_67 = arith.truncf %get3A_63 : vector<128x128xf32> to vector<128x128xbf16>
    %convert_element_type3A_68 = arith.truncf %get3A_66 : vector<128x128xf32> to vector<128x128xbf16>
    %dot_general3A_69 = arith.constant dense<0.000000e+00> : vector<128x128xf32>
    %dot_general3A_70 = tpu.matmul %convert_element_type3A_67, %convert_element_type3A_68, %dot_general3A_69 {dimension_numbers = #tpu.dot_dimension_numbers<[1], [0], [0], [1], [0, 0, 1, 1], [], []>, transpose_lhs_hint = false} : vector<128x128xbf16>, vector<128x128xbf16>, vector<128x128xf32> -> vector<128x128xf32>
    %convert_element_type3A_71 = arith.truncf %dot_general3A_70 : vector<128x128xf32> to vector<128x128xbf16>
    %get3A_72 = arith.constant 0 : index
    %get3A_73 = arith.constant 0 : index
    %get3A_74 = vector.load %arg8[%get3A_72, %get3A_73] : memref<128x128xf32, #tpu.memory_space<vmem>>, vector<128x128xf32>
    %get3A_75 = arith.constant 0 : index
    %get3A_76 = arith.constant 0 : index
    %get3A_77 = vector.load %arg12[%get3A_75, %get3A_76] : memref<128x128xf32, #tpu.memory_space<vmem>>, vector<128x128xf32>
    %convert_element_type3A_78 = arith.truncf %get3A_74 : vector<128x128xf32> to vector<128x128xbf16>
    %convert_element_type3A_79 = arith.truncf %get3A_77 : vector<128x128xf32> to vector<128x128xbf16>
    %dot_general3A_80 = arith.constant dense<0.000000e+00> : vector<128x128xf32>
    %dot_general3A_81 = tpu.matmul %convert_element_type3A_78, %convert_element_type3A_79, %dot_general3A_80 {dimension_numbers = #tpu.dot_dimension_numbers<[1], [0], [0], [1], [0, 0, 1, 1], [], []>, transpose_lhs_hint = false} : vector<128x128xbf16>, vector<128x128xbf16>, vector<128x128xf32> -> vector<128x128xf32>
    %convert_element_type3A_82 = arith.truncf %dot_general3A_81 : vector<128x128xf32> to vector<128x128xbf16>
    %get3A_83 = arith.constant 0 : index
    %get3A_84 = arith.constant 0 : index
    %get3A_85 = vector.load %arg9[%get3A_83, %get3A_84] : memref<1x128xf32, #tpu.memory_space<vmem>>, vector<1x128xf32>
    %get3A_86 = arith.constant 0 : index
    %get3A_87 = arith.constant 0 : index
    %get3A_88 = vector.load %arg12[%get3A_86, %get3A_87] : memref<128x128xf32, #tpu.memory_space<vmem>>, vector<128x128xf32>
    %convert_element_type3A_89 = arith.truncf %get3A_85 : vector<1x128xf32> to vector<1x128xbf16>
    %convert_element_type3A_90 = arith.truncf %get3A_88 : vector<128x128xf32> to vector<128x128xbf16>
    %dot_general3A_91 = arith.constant dense<0.000000e+00> : vector<1x128xf32>
    %dot_general3A_92 = tpu.matmul %convert_element_type3A_89, %convert_element_type3A_90, %dot_general3A_91 {dimension_numbers = #tpu.dot_dimension_numbers<[1], [0], [0], [1], [0, 0, 1, 1], [], []>, transpose_lhs_hint = false} : vector<1x128xbf16>, vector<128x128xbf16>, vector<1x128xf32> -> vector<1x128xf32>
    %dot_general3A_93 = arith.constant dense<0.000000e+00> : vector<2048x128xf32>
    %dot_general3A_94 = tpu.matmul %convert_element_type3A, %convert_element_type3A_71, %dot_general3A_93 {dimension_numbers = #tpu.dot_dimension_numbers<[1], [0], [0], [1], [0, 0, 1, 1], [], []>, transpose_lhs_hint = false} : vector<2048x128xbf16>, vector<128x128xbf16>, vector<2048x128xf32> -> vector<2048x128xf32>
    %convert_element_type3A_95 = arith.truncf %dot_general3A_94 : vector<2048x128xf32> to vector<2048x128xbf16>
    %dot_general3A_96 = arith.constant dense<0.000000e+00> : vector<2048x128xf32>
    %dot_general3A_97 = tpu.matmul %convert_element_type3A, %convert_element_type3A_82, %dot_general3A_96 {dimension_numbers = #tpu.dot_dimension_numbers<[1], [0], [0], [1], [0, 0, 1, 1], [], []>, transpose_lhs_hint = false} : vector<2048x128xbf16>, vector<128x128xbf16>, vector<2048x128xf32> -> vector<2048x128xf32>
    %convert_element_type3A_98 = arith.truncf %dot_general3A_97 : vector<2048x128xf32> to vector<2048x128xbf16>
    %get3A_99 = arith.constant 0 : index
    %get3A_100 = arith.constant 0 : index
    %get3A_101 = vector.load %arg10[%get3A_99, %get3A_100] : memref<128x128xf32, #tpu.memory_space<vmem>>, vector<128x128xf32>
    %mul3A_102 = arith.constant 0.176776692 : f32
    %mul3A_103 = vector.broadcast %mul3A_102 : f32 to vector<128x128xf32>
    %mul3A_104 = arith.mulf %get3A_101, %mul3A_103 : vector<128x128xf32>
    %convert_element_type3A_105 = arith.truncf %add3A_60 : vector<256x128xf32> to vector<256x128xbf16>
    %convert_element_type3A_106 = arith.truncf %mul3A_104 : vector<128x128xf32> to vector<128x128xbf16>
    %dot_general3A_107 = arith.constant dense<0.000000e+00> : vector<256x128xf32>
    %dot_general3A_108 = tpu.matmul %convert_element_type3A_105, %convert_element_type3A_106, %dot_general3A_107 {dimension_numbers = #tpu.dot_dimension_numbers<[1], [0], [0], [1], [0, 0, 1, 1], [], []>, transpose_lhs_hint = false} : vector<256x128xbf16>, vector<128x128xbf16>, vector<256x128xf32> -> vector<256x128xf32>
    %convert_element_type3A_109 = arith.truncf %dot_general3A_108 : vector<256x128xf32> to vector<256x128xbf16>
    %broadcast_in_dim3A_110 = arith.constant 1.000000e+00 : bf16
    %broadcast_in_dim3A_111 = vector.broadcast %broadcast_in_dim3A_110 : bf16 to vector<2048x8xbf16>
    %slice3A = vector.extract_strided_slice %convert_element_type3A_109 {offsets = [0, 0], sizes = [256, 32], strides = [1, 1]} : vector<256x128xbf16> to vector<256x32xbf16>
    %slice3A_112 = vector.extract_strided_slice %convert_element_type3A_95 {offsets = [0, 0], sizes = [2048, 32], strides = [1, 1]} : vector<2048x128xbf16> to vector<2048x32xbf16>
    %dot_general3A_113 = arith.constant dense<0.000000e+00> : vector<256x2048xf32>
    %dot_general3A_114 = tpu.matmul %slice3A, %slice3A_112, %dot_general3A_113 {dimension_numbers = #tpu.dot_dimension_numbers<[1], [1], [0], [0], [0, 0, 1, 0], [], []>, transpose_lhs_hint = false} : vector<256x32xbf16>, vector<2048x32xbf16>, vector<256x2048xf32> -> vector<256x2048xf32>
    %convert_element_type3A_115 = arith.truncf %dot_general3A_114 : vector<256x2048xf32> to vector<256x2048xbf16>
    %exp3A = math.exp %convert_element_type3A_115 : vector<256x2048xbf16>
    %slice3A_116 = vector.extract_strided_slice %convert_element_type3A_98 {offsets = [0, 0], sizes = [2048, 32], strides = [1, 1]} : vector<2048x128xbf16> to vector<2048x32xbf16>
    %concatenate3A = tpu.concatenate %slice3A_116, %broadcast_in_dim3A_111 in 1 : vector<2048x32xbf16>, vector<2048x8xbf16> -> vector<2048x40xbf16>
    %dot_general3A_117 = arith.constant dense<0.000000e+00> : vector<256x40xf32>
    %dot_general3A_118 = tpu.matmul %exp3A, %concatenate3A, %dot_general3A_117 {dimension_numbers = #tpu.dot_dimension_numbers<[1], [0], [0], [1], [0, 0, 1, 1], [], []>, transpose_lhs_hint = false} : vector<256x2048xbf16>, vector<2048x40xbf16>, vector<256x40xf32> -> vector<256x40xf32>
    %slice3A_119 = vector.extract_strided_slice %dot_general3A_118 {offsets = [0, 0], sizes = [256, 32], strides = [1, 1]} : vector<256x40xf32> to vector<256x32xf32>
    %slice3A_120 = vector.extract_strided_slice %dot_general3A_118 {offsets = [0, 32], sizes = [256, 1], strides = [1, 1]} : vector<256x40xf32> to vector<256x1xf32>
    %div3A_121 = arith.constant 1.000000e+00 : f32
    %div3A_122 = vector.broadcast %div3A_121 : f32 to vector<256x1xf32>
    %div3A_123 = arith.divf %div3A_122, %slice3A_120 : vector<256x1xf32>
    %mul3A_124 = vector.broadcast %div3A_123 : vector<256x1xf32> to vector<256x32xf32>
    %mul3A_125 = arith.mulf %slice3A_119, %mul3A_124 : vector<256x32xf32>
    %slice3A_126 = vector.extract_strided_slice %convert_element_type3A_109 {offsets = [0, 32], sizes = [256, 32], strides = [1, 1]} : vector<256x128xbf16> to vector<256x32xbf16>
    %slice3A_127 = vector.extract_strided_slice %convert_element_type3A_95 {offsets = [0, 32], sizes = [2048, 32], strides = [1, 1]} : vector<2048x128xbf16> to vector<2048x32xbf16>
    %dot_general3A_128 = arith.constant dense<0.000000e+00> : vector<256x2048xf32>
    %dot_general3A_129 = tpu.matmul %slice3A_126, %slice3A_127, %dot_general3A_128 {dimension_numbers = #tpu.dot_dimension_numbers<[1], [1], [0], [0], [0, 0, 1, 0], [], []>, transpose_lhs_hint = false} : vector<256x32xbf16>, vector<2048x32xbf16>, vector<256x2048xf32> -> vector<256x2048xf32>
    %convert_element_type3A_130 = arith.truncf %dot_general3A_129 : vector<256x2048xf32> to vector<256x2048xbf16>
    %exp3A_131 = math.exp %convert_element_type3A_130 : vector<256x2048xbf16>
    %slice3A_132 = vector.extract_strided_slice %convert_element_type3A_98 {offsets = [0, 32], sizes = [2048, 32], strides = [1, 1]} : vector<2048x128xbf16> to vector<2048x32xbf16>
    %concatenate3A_133 = tpu.concatenate %slice3A_132, %broadcast_in_dim3A_111 in 1 : vector<2048x32xbf16>, vector<2048x8xbf16> -> vector<2048x40xbf16>
    %dot_general3A_134 = arith.constant dense<0.000000e+00> : vector<256x40xf32>
    %dot_general3A_135 = tpu.matmul %exp3A_131, %concatenate3A_133, %dot_general3A_134 {dimension_numbers = #tpu.dot_dimension_numbers<[1], [0], [0], [1], [0, 0, 1, 1], [], []>, transpose_lhs_hint = false} : vector<256x2048xbf16>, vector<2048x40xbf16>, vector<256x40xf32> -> vector<256x40xf32>
    %slice3A_136 = vector.extract_strided_slice %dot_general3A_135 {offsets = [0, 0], sizes = [256, 32], strides = [1, 1]} : vector<256x40xf32> to vector<256x32xf32>
    %slice3A_137 = vector.extract_strided_slice %dot_general3A_135 {offsets = [0, 32], sizes = [256, 1], strides = [1, 1]} : vector<256x40xf32> to vector<256x1xf32>
    %div3A_138 = arith.constant 1.000000e+00 : f32
    %div3A_139 = vector.broadcast %div3A_138 : f32 to vector<256x1xf32>
    %div3A_140 = arith.divf %div3A_139, %slice3A_137 : vector<256x1xf32>
    %mul3A_141 = vector.broadcast %div3A_140 : vector<256x1xf32> to vector<256x32xf32>
    %mul3A_142 = arith.mulf %slice3A_136, %mul3A_141 : vector<256x32xf32>
    %slice3A_143 = vector.extract_strided_slice %convert_element_type3A_109 {offsets = [0, 64], sizes = [256, 32], strides = [1, 1]} : vector<256x128xbf16> to vector<256x32xbf16>
    %slice3A_144 = vector.extract_strided_slice %convert_element_type3A_95 {offsets = [0, 64], sizes = [2048, 32], strides = [1, 1]} : vector<2048x128xbf16> to vector<2048x32xbf16>
    %dot_general3A_145 = arith.constant dense<0.000000e+00> : vector<256x2048xf32>
    %dot_general3A_146 = tpu.matmul %slice3A_143, %slice3A_144, %dot_general3A_145 {dimension_numbers = #tpu.dot_dimension_numbers<[1], [1], [0], [0], [0, 0, 1, 0], [], []>, transpose_lhs_hint = false} : vector<256x32xbf16>, vector<2048x32xbf16>, vector<256x2048xf32> -> vector<256x2048xf32>
    %convert_element_type3A_147 = arith.truncf %dot_general3A_146 : vector<256x2048xf32> to vector<256x2048xbf16>
    %exp3A_148 = math.exp %convert_element_type3A_147 : vector<256x2048xbf16>
    %slice3A_149 = vector.extract_strided_slice %convert_element_type3A_98 {offsets = [0, 64], sizes = [2048, 32], strides = [1, 1]} : vector<2048x128xbf16> to vector<2048x32xbf16>
    %concatenate3A_150 = tpu.concatenate %slice3A_149, %broadcast_in_dim3A_111 in 1 : vector<2048x32xbf16>, vector<2048x8xbf16> -> vector<2048x40xbf16>
    %dot_general3A_151 = arith.constant dense<0.000000e+00> : vector<256x40xf32>
    %dot_general3A_152 = tpu.matmul %exp3A_148, %concatenate3A_150, %dot_general3A_151 {dimension_numbers = #tpu.dot_dimension_numbers<[1], [0], [0], [1], [0, 0, 1, 1], [], []>, transpose_lhs_hint = false} : vector<256x2048xbf16>, vector<2048x40xbf16>, vector<256x40xf32> -> vector<256x40xf32>
    %slice3A_153 = vector.extract_strided_slice %dot_general3A_152 {offsets = [0, 0], sizes = [256, 32], strides = [1, 1]} : vector<256x40xf32> to vector<256x32xf32>
    %slice3A_154 = vector.extract_strided_slice %dot_general3A_152 {offsets = [0, 32], sizes = [256, 1], strides = [1, 1]} : vector<256x40xf32> to vector<256x1xf32>
    %div3A_155 = arith.constant 1.000000e+00 : f32
    %div3A_156 = vector.broadcast %div3A_155 : f32 to vector<256x1xf32>
    %div3A_157 = arith.divf %div3A_156, %slice3A_154 : vector<256x1xf32>
    %mul3A_158 = vector.broadcast %div3A_157 : vector<256x1xf32> to vector<256x32xf32>
    %mul3A_159 = arith.mulf %slice3A_153, %mul3A_158 : vector<256x32xf32>
    %slice3A_160 = vector.extract_strided_slice %convert_element_type3A_109 {offsets = [0, 96], sizes = [256, 32], strides = [1, 1]} : vector<256x128xbf16> to vector<256x32xbf16>
    %slice3A_161 = vector.extract_strided_slice %convert_element_type3A_95 {offsets = [0, 96], sizes = [2048, 32], strides = [1, 1]} : vector<2048x128xbf16> to vector<2048x32xbf16>
    %dot_general3A_162 = arith.constant dense<0.000000e+00> : vector<256x2048xf32>
    %dot_general3A_163 = tpu.matmul %slice3A_160, %slice3A_161, %dot_general3A_162 {dimension_numbers = #tpu.dot_dimension_numbers<[1], [1], [0], [0], [0, 0, 1, 0], [], []>, transpose_lhs_hint = false} : vector<256x32xbf16>, vector<2048x32xbf16>, vector<256x2048xf32> -> vector<256x2048xf32>
    %convert_element_type3A_164 = arith.truncf %dot_general3A_163 : vector<256x2048xf32> to vector<256x2048xbf16>
    %exp3A_165 = math.exp %convert_element_type3A_164 : vector<256x2048xbf16>
    %slice3A_166 = vector.extract_strided_slice %convert_element_type3A_98 {offsets = [0, 96], sizes = [2048, 32], strides = [1, 1]} : vector<2048x128xbf16> to vector<2048x32xbf16>
    %concatenate3A_167 = tpu.concatenate %slice3A_166, %broadcast_in_dim3A_111 in 1 : vector<2048x32xbf16>, vector<2048x8xbf16> -> vector<2048x40xbf16>
    %dot_general3A_168 = arith.constant dense<0.000000e+00> : vector<256x40xf32>
    %dot_general3A_169 = tpu.matmul %exp3A_165, %concatenate3A_167, %dot_general3A_168 {dimension_numbers = #tpu.dot_dimension_numbers<[1], [0], [0], [1], [0, 0, 1, 1], [], []>, transpose_lhs_hint = false} : vector<256x2048xbf16>, vector<2048x40xbf16>, vector<256x40xf32> -> vector<256x40xf32>
    %slice3A_170 = vector.extract_strided_slice %dot_general3A_169 {offsets = [0, 0], sizes = [256, 32], strides = [1, 1]} : vector<256x40xf32> to vector<256x32xf32>
    %slice3A_171 = vector.extract_strided_slice %dot_general3A_169 {offsets = [0, 32], sizes = [256, 1], strides = [1, 1]} : vector<256x40xf32> to vector<256x1xf32>
    %div3A_172 = arith.constant 1.000000e+00 : f32
    %div3A_173 = vector.broadcast %div3A_172 : f32 to vector<256x1xf32>
    %div3A_174 = arith.divf %div3A_173, %slice3A_171 : vector<256x1xf32>
    %mul3A_175 = vector.broadcast %div3A_174 : vector<256x1xf32> to vector<256x32xf32>
    %mul3A_176 = arith.mulf %slice3A_170, %mul3A_175 : vector<256x32xf32>
    %concatenate3A_177 = tpu.concatenate %mul3A_125, %mul3A_142, %mul3A_159, %mul3A_176 in 1 : vector<256x32xf32>, vector<256x32xf32>, vector<256x32xf32>, vector<256x32xf32> -> vector<256x128xf32>
    %add3A_178 = vector.broadcast %dot_general3A_92 : vector<1x128xf32> to vector<256x128xf32>
    %add3A_179 = arith.addf %concatenate3A_177, %add3A_178 : vector<256x128xf32>
    %get3A_180 = arith.constant 0 : index
    %get3A_181 = arith.constant 0 : index
    %get3A_182 = vector.load %arg13[%get3A_180, %get3A_181] : memref<128x128xf32, #tpu.memory_space<vmem>>, vector<128x128xf32>
    %convert_element_type3A_183 = arith.truncf %add3A_179 : vector<256x128xf32> to vector<256x128xbf16>
    %convert_element_type3A_184 = arith.truncf %get3A_182 : vector<128x128xf32> to vector<128x128xbf16>
    %dot_general3A_185 = arith.constant dense<0.000000e+00> : vector<256x128xf32>
    %dot_general3A_186 = tpu.matmul %convert_element_type3A_183, %convert_element_type3A_184, %dot_general3A_185 {dimension_numbers = #tpu.dot_dimension_numbers<[1], [0], [0], [1], [0, 0, 1, 1], [], []>, transpose_lhs_hint = false} : vector<256x128xbf16>, vector<128x128xbf16>, vector<256x128xf32> -> vector<256x128xf32>
    %add3A_187 = arith.addf %add3A_60, %dot_general3A_186 : vector<256x128xf32>
    %get3A_188 = arith.constant 0 : index
    %get3A_189 = arith.constant 0 : index
    %get3A_190 = vector.load %arg14[%get3A_188, %get3A_189] : memref<1x128xf32, #tpu.memory_space<vmem>>, vector<1x128xf32>
    %get3A_191 = arith.constant 0 : index
    %get3A_192 = arith.constant 0 : index
    %get3A_193 = vector.load %arg15[%get3A_191, %get3A_192] : memref<1x128xf32, #tpu.memory_space<vmem>>, vector<1x128xf32>
    %reduce_sum3A_194 = arith.constant dense<0.000000e+00> : vector<256xf32>
    %reduce_sum3A_195 = vector.multi_reduction <add>, %add3A_187, %reduce_sum3A_194 [1] : vector<256x128xf32> to vector<256xf32>
    %broadcast_in_dim3A_196 = vector.shape_cast %reduce_sum3A_195 : vector<256xf32> to vector<256x1xf32>
    %div3A_197 = arith.constant 1.280000e+02 : f32
    %div3A_198 = vector.broadcast %div3A_197 : f32 to vector<256x1xf32>
    %div3A_199 = arith.divf %broadcast_in_dim3A_196, %div3A_198 : vector<256x1xf32>
    %sub3A = vector.broadcast %div3A_199 : vector<256x1xf32> to vector<256x128xf32>
    %sub3A_200 = arith.subf %add3A_187, %sub3A : vector<256x128xf32>
    %mul3A_201 = arith.mulf %sub3A_200, %sub3A_200 : vector<256x128xf32>
    %reduce_sum3A_202 = arith.constant dense<0.000000e+00> : vector<256xf32>
    %reduce_sum3A_203 = vector.multi_reduction <add>, %mul3A_201, %reduce_sum3A_202 [1] : vector<256x128xf32> to vector<256xf32>
    %broadcast_in_dim3A_204 = vector.shape_cast %reduce_sum3A_203 : vector<256xf32> to vector<256x1xf32>
    %div3A_205 = arith.constant 1.280000e+02 : f32
    %div3A_206 = vector.broadcast %div3A_205 : f32 to vector<256x1xf32>
    %div3A_207 = arith.divf %broadcast_in_dim3A_204, %div3A_206 : vector<256x1xf32>
    %add3A_208 = arith.constant 9.99999974E-6 : f32
    %add3A_209 = vector.broadcast %add3A_208 : f32 to vector<256x1xf32>
    %add3A_210 = arith.addf %div3A_207, %add3A_209 : vector<256x1xf32>
    %rsqrt3A = math.rsqrt %add3A_210 : vector<256x1xf32>
    %mul3A_211 = vector.broadcast %rsqrt3A : vector<256x1xf32> to vector<256x128xf32>
    %mul3A_212 = arith.mulf %sub3A_200, %mul3A_211 : vector<256x128xf32>
    %mul3A_213 = vector.broadcast %get3A_190 : vector<1x128xf32> to vector<256x128xf32>
    %mul3A_214 = arith.mulf %mul3A_213, %mul3A_212 : vector<256x128xf32>
    %add3A_215 = vector.broadcast %get3A_193 : vector<1x128xf32> to vector<256x128xf32>
    %add3A_216 = arith.addf %mul3A_214, %add3A_215 : vector<256x128xf32>
    %get3A_217 = arith.constant 0 : index
    %get3A_218 = arith.constant 0 : index
    %get3A_219 = vector.load %arg16[%get3A_217, %get3A_218] : memref<128x512xf32, #tpu.memory_space<vmem>>, vector<128x512xf32>
    %convert_element_type3A_220 = arith.truncf %add3A_216 : vector<256x128xf32> to vector<256x128xbf16>
    %convert_element_type3A_221 = arith.truncf %get3A_219 : vector<128x512xf32> to vector<128x512xbf16>
    %dot_general3A_222 = arith.constant dense<0.000000e+00> : vector<256x512xf32>
    %dot_general3A_223 = tpu.matmul %convert_element_type3A_220, %convert_element_type3A_221, %dot_general3A_222 {dimension_numbers = #tpu.dot_dimension_numbers<[1], [0], [0], [1], [0, 0, 1, 1], [], []>, transpose_lhs_hint = false} : vector<256x128xbf16>, vector<128x512xbf16>, vector<256x512xf32> -> vector<256x512xf32>
    %get3A_224 = arith.constant 0 : index
    %get3A_225 = arith.constant 0 : index
    %get3A_226 = vector.load %arg17[%get3A_224, %get3A_225] : memref<1x512xf32, #tpu.memory_space<vmem>>, vector<1x512xf32>
    %add3A_227 = vector.broadcast %get3A_226 : vector<1x512xf32> to vector<256x512xf32>
    %add3A_228 = arith.addf %dot_general3A_223, %add3A_227 : vector<256x512xf32>
    %max3A_229 = arith.constant 0.000000e+00 : f32
    %max3A_230 = vector.broadcast %max3A_229 : f32 to vector<256x512xf32>
    %max3A_231 = arith.maximumf %add3A_228, %max3A_230 : vector<256x512xf32>
    %get3A_232 = arith.constant 0 : index
    %get3A_233 = arith.constant 0 : index
    %get3A_234 = vector.load %arg18[%get3A_232, %get3A_233] : memref<512x128xf32, #tpu.memory_space<vmem>>, vector<512x128xf32>
    %convert_element_type3A_235 = arith.truncf %max3A_231 : vector<256x512xf32> to vector<256x512xbf16>
    %convert_element_type3A_236 = arith.truncf %get3A_234 : vector<512x128xf32> to vector<512x128xbf16>
    %dot_general3A_237 = arith.constant dense<0.000000e+00> : vector<256x128xf32>
    %dot_general3A_238 = tpu.matmul %convert_element_type3A_235, %convert_element_type3A_236, %dot_general3A_237 {dimension_numbers = #tpu.dot_dimension_numbers<[1], [0], [0], [1], [0, 0, 1, 1], [], []>, transpose_lhs_hint = false} : vector<256x512xbf16>, vector<512x128xbf16>, vector<256x128xf32> -> vector<256x128xf32>
    %add3A_239 = arith.addf %add3A_216, %dot_general3A_238 : vector<256x128xf32>
    %get3A_240 = arith.constant 0 : index
    %get3A_241 = arith.constant 0 : index
    %get3A_242 = vector.load %arg19[%get3A_240, %get3A_241] : memref<1x128xf32, #tpu.memory_space<vmem>>, vector<1x128xf32>
    %add3A_243 = vector.broadcast %get3A_242 : vector<1x128xf32> to vector<256x128xf32>
    %add3A_244 = arith.addf %add3A_239, %add3A_243 : vector<256x128xf32>
    %get3A_245 = arith.constant 0 : index
    %get3A_246 = arith.constant 0 : index
    %get3A_247 = vector.load %arg20[%get3A_245, %get3A_246] : memref<1x128xf32, #tpu.memory_space<vmem>>, vector<1x128xf32>
    %get3A_248 = arith.constant 0 : index
    %get3A_249 = arith.constant 0 : index
    %get3A_250 = vector.load %arg21[%get3A_248, %get3A_249] : memref<1x128xf32, #tpu.memory_space<vmem>>, vector<1x128xf32>
    %reduce_sum3A_251 = arith.constant dense<0.000000e+00> : vector<256xf32>
    %reduce_sum3A_252 = vector.multi_reduction <add>, %add3A_244, %reduce_sum3A_251 [1] : vector<256x128xf32> to vector<256xf32>
    %broadcast_in_dim3A_253 = vector.shape_cast %reduce_sum3A_252 : vector<256xf32> to vector<256x1xf32>
    %div3A_254 = arith.constant 1.280000e+02 : f32
    %div3A_255 = vector.broadcast %div3A_254 : f32 to vector<256x1xf32>
    %div3A_256 = arith.divf %broadcast_in_dim3A_253, %div3A_255 : vector<256x1xf32>
    %sub3A_257 = vector.broadcast %div3A_256 : vector<256x1xf32> to vector<256x128xf32>
    %sub3A_258 = arith.subf %add3A_244, %sub3A_257 : vector<256x128xf32>
    %mul3A_259 = arith.mulf %sub3A_258, %sub3A_258 : vector<256x128xf32>
    %reduce_sum3A_260 = arith.constant dense<0.000000e+00> : vector<256xf32>
    %reduce_sum3A_261 = vector.multi_reduction <add>, %mul3A_259, %reduce_sum3A_260 [1] : vector<256x128xf32> to vector<256xf32>
    %broadcast_in_dim3A_262 = vector.shape_cast %reduce_sum3A_261 : vector<256xf32> to vector<256x1xf32>
    %div3A_263 = arith.constant 1.280000e+02 : f32
    %div3A_264 = vector.broadcast %div3A_263 : f32 to vector<256x1xf32>
    %div3A_265 = arith.divf %broadcast_in_dim3A_262, %div3A_264 : vector<256x1xf32>
    %add3A_266 = arith.constant 9.99999974E-6 : f32
    %add3A_267 = vector.broadcast %add3A_266 : f32 to vector<256x1xf32>
    %add3A_268 = arith.addf %div3A_265, %add3A_267 : vector<256x1xf32>
    %rsqrt3A_269 = math.rsqrt %add3A_268 : vector<256x1xf32>
    %mul3A_270 = vector.broadcast %rsqrt3A_269 : vector<256x1xf32> to vector<256x128xf32>
    %mul3A_271 = arith.mulf %sub3A_258, %mul3A_270 : vector<256x128xf32>
    %mul3A_272 = vector.broadcast %get3A_247 : vector<1x128xf32> to vector<256x128xf32>
    %mul3A_273 = arith.mulf %mul3A_272, %mul3A_271 : vector<256x128xf32>
    %add3A_274 = vector.broadcast %get3A_250 : vector<1x128xf32> to vector<256x128xf32>
    %add3A_275 = arith.addf %mul3A_273, %add3A_274 : vector<256x128xf32>
    %get3A_276 = arith.constant 0 : index
    %get3A_277 = arith.constant 0 : index
    %get3A_278 = vector.load %arg22[%get3A_276, %get3A_277] : memref<128x8xf32, #tpu.memory_space<vmem>>, vector<128x8xf32>
    %convert_element_type3A_279 = arith.truncf %add3A_275 : vector<256x128xf32> to vector<256x128xbf16>
    %convert_element_type3A_280 = arith.truncf %get3A_278 : vector<128x8xf32> to vector<128x8xbf16>
    %dot_general3A_281 = arith.constant dense<0.000000e+00> : vector<256x8xf32>
    %dot_general3A_282 = tpu.matmul %convert_element_type3A_279, %convert_element_type3A_280, %dot_general3A_281 {dimension_numbers = #tpu.dot_dimension_numbers<[1], [0], [0], [1], [0, 0, 1, 1], [], []>, transpose_lhs_hint = false} : vector<256x128xbf16>, vector<128x8xbf16>, vector<256x8xf32> -> vector<256x8xf32>
    %get3A_283 = arith.constant 0 : index
    %get3A_284 = arith.constant 0 : index
    %get3A_285 = vector.load %arg23[%get3A_283, %get3A_284] : memref<1x8xf32, #tpu.memory_space<vmem>>, vector<1x8xf32>
    %add3A_286 = vector.broadcast %get3A_285 : vector<1x8xf32> to vector<256x8xf32>
    %add3A_287 = arith.addf %dot_general3A_282, %add3A_286 : vector<256x8xf32>
    %swap3A = arith.constant 0 : index
    %swap3A_288 = arith.constant 0 : index
    %swap3A_289 = arith.constant 0 : index
    %swap3A_290 = vector.load %arg24[%swap3A, %swap3A_288, %swap3A_289] : memref<1x256x8xf32, #tpu.memory_space<vmem>>, vector<1x256x8xf32>
    %swap3A_291 = vector.shape_cast %swap3A_290 : vector<1x256x8xf32> to vector<256x8xf32>
    %swap3A_292 = vector.shape_cast %add3A_287 : vector<256x8xf32> to vector<1x256x8xf32>
    tpu.vector_store %arg24[%swap3A, %swap3A_288, %swap3A_289], %swap3A_292 {strides = array<i32>} : memref<1x256x8xf32, #tpu.memory_space<vmem>>, vector<1x256x8xf32>,
    return
  }
  func.func @transform_0(%arg0: i32) -> (i32, i32, i32) {
    %c0_i32 = arith.constant 0 : i32
    %c0_i32_0 = arith.constant 0 : i32
    %c0_i32_1 = arith.constant 0 : i32
    return %arg0, %c0_i32, %c0_i32_0 : i32, i32, i32
  }
  func.func @transform_1(%arg0: i32) -> (i32, i32, i32) {
    %c0_i32 = arith.constant 0 : i32
    %c0_i32_0 = arith.constant 0 : i32
    %c0_i32_1 = arith.constant 0 : i32
    return %arg0, %c0_i32, %c0_i32_0 : i32, i32, i32
  }
  func.func @transform_2(%arg0: i32) -> (i32, i32, i32) {
    %c0_i32 = arith.constant 0 : i32
    %c0_i32_0 = arith.constant 0 : i32
    %c0_i32_1 = arith.constant 0 : i32
    return %arg0, %c0_i32, %c0_i32_0 : i32, i32, i32
  }
  func.func @transform_3(%arg0: i32) -> (i32, i32, i32) {
    %c0_i32 = arith.constant 0 : i32
    %c0_i32_0 = arith.constant 0 : i32
    %c0_i32_1 = arith.constant 0 : i32
    return %arg0, %c0_i32, %c0_i32_0 : i32, i32, i32
  }
  func.func @transform_4(%arg0: i32) -> (i32, i32) {
    %c0_i32 = arith.constant 0 : i32
    %c0_i32_0 = arith.constant 0 : i32
    %c0_i32_1 = arith.constant 0 : i32
    return %c0_i32, %c0_i32_0 : i32, i32
  }
  func.func @transform_5(%arg0: i32) -> (i32, i32) {
    %c0_i32 = arith.constant 0 : i32
    %c0_i32_0 = arith.constant 0 : i32
    %c0_i32_1 = arith.constant 0 : i32
    return %c0_i32, %c0_i32_0 : i32, i32
  }
  func.func @transform_6(%arg0: i32) -> (i32, i32) {
    %c0_i32 = arith.constant 0 : i32
    %c0_i32_0 = arith.constant 0 : i32
    %c0_i32_1 = arith.constant 0 : i32
    return %c0_i32, %c0_i32_0 : i32, i32
  }
  func.func @transform_7(%arg0: i32) -> (i32, i32) {
    %c0_i32 = arith.constant 0 : i32
    %c0_i32_0 = arith.constant 0 : i32
    %c0_i32_1 = arith.constant 0 : i32
    return %c0_i32, %c0_i32_0 : i32, i32
  }
  func.func @transform_8(%arg0: i32) -> (i32, i32) {
    %c0_i32 = arith.constant 0 : i32
    %c0_i32_0 = arith.constant 0 : i32
    %c0_i32_1 = arith.constant 0 : i32
    return %c0_i32, %c0_i32_0 : i32, i32
  }
  func.func @transform_9(%arg0: i32) -> (i32, i32) {
    %c0_i32 = arith.constant 0 : i32
    %c0_i32_0 = arith.constant 0 : i32
    %c0_i32_1 = arith.constant 0 : i32
    return %c0_i32, %c0_i32_0 : i32, i32
  }
  func.func @transform_10(%arg0: i32) -> (i32, i32) {
    %c0_i32 = arith.constant 0 : i32
    %c0_i32_0 = arith.constant 0 : i32
    %c0_i32_1 = arith.constant 0 : i32
    return %c0_i32, %c0_i32_0 : i32, i32
  }
  func.func @transform_11(%arg0: i32) -> (i32, i32) {
    %c0_i32 = arith.constant 0 : i32
    %c0_i32_0 = arith.constant 0 : i32
    %c0_i32_1 = arith.constant 0 : i32
    return %c0_i32, %c0_i32_0 : i32, i32
  }
  func.func @transform_12(%arg0: i32) -> (i32, i32) {
    %c0_i32 = arith.constant 0 : i32
    %c0_i32_0 = arith.constant 0 : i32
    %c0_i32_1 = arith.constant 0 : i32
    return %c0_i32, %c0_i32_0 : i32, i32
  }
  func.func @transform_13(%arg0: i32) -> (i32, i32) {
    %c0_i32 = arith.constant 0 : i32
    %c0_i32_0 = arith.constant 0 : i32
    %c0_i32_1 = arith.constant 0 : i32
    return %c0_i32, %c0_i32_0 : i32, i32
  }
  func.func @transform_14(%arg0: i32) -> (i32, i32) {
    %c0_i32 = arith.constant 0 : i32
    %c0_i32_0 = arith.constant 0 : i32
    %c0_i32_1 = arith.constant 0 : i32
    return %c0_i32, %c0_i32_0 : i32, i32
  }
  func.func @transform_15(%arg0: i32) -> (i32, i32) {
    %c0_i32 = arith.constant 0 : i32
    %c0_i32_0 = arith.constant 0 : i32
    %c0_i32_1 = arith.constant 0 : i32
    return %c0_i32, %c0_i32_0 : i32, i32
  }
  func.func @transform_16(%arg0: i32) -> (i32, i32) {
    %c0_i32 = arith.constant 0 : i32
    %c0_i32_0 = arith.constant 0 : i32
    %c0_i32_1 = arith.constant 0 : i32
    return %c0_i32, %c0_i32_0 : i32, i32
  }
  func.func @transform_17(%arg0: i32) -> (i32, i32) {
    %c0_i32 = arith.constant 0 : i32
    %c0_i32_0 = arith.constant 0 : i32
    %c0_i32_1 = arith.constant 0 : i32
    return %c0_i32, %c0_i32_0 : i32, i32
  }
  func.func @transform_18(%arg0: i32) -> (i32, i32) {
    %c0_i32 = arith.constant 0 : i32
    %c0_i32_0 = arith.constant 0 : i32
    %c0_i32_1 = arith.constant 0 : i32
    return %c0_i32, %c0_i32_0 : i32, i32
  }
  func.func @transform_19(%arg0: i32) -> (i32, i32) {
    %c0_i32 = arith.constant 0 : i32
    %c0_i32_0 = arith.constant 0 : i32
    %c0_i32_1 = arith.constant 0 : i32
    return %c0_i32, %c0_i32_0 : i32, i32
  }
  func.func @transform_20(%arg0: i32) -> (i32, i32) {
    %c0_i32 = arith.constant 0 : i32
    %c0_i32_0 = arith.constant 0 : i32
    %c0_i32_1 = arith.constant 0 : i32
    return %c0_i32, %c0_i32_0 : i32, i32
  }
  func.func @transform_21(%arg0: i32) -> (i32, i32) {
    %c0_i32 = arith.constant 0 : i32
    %c0_i32_0 = arith.constant 0 : i32
    %c0_i32_1 = arith.constant 0 : i32
    return %c0_i32, %c0_i32_0 : i32, i32
  }
  func.func @transform_22(%arg0: i32) -> (i32, i32) {
    %c0_i32 = arith.constant 0 : i32
    %c0_i32_0 = arith.constant 0 : i32
    %c0_i32_1 = arith.constant 0 : i32
    return %c0_i32, %c0_i32_0 : i32, i32
  }
  func.func @transform_23(%arg0: i32) -> (i32, i32, i32) {
    %c0_i32 = arith.constant 0 : i32
    %c0_i32_0 = arith.constant 0 : i32
    %c0_i32_1 = arith.constant 0 : i32
    return %arg0, %c0_i32, %c0_i32_0 : i32, i32, i32
  }
}

</mosaic_0001>

<sc_bundles>
// kernel: kernel.4.cloned.1.call-start
scs
__scs_entry_jumppad:
0x0: {  	(pc) =	sbr.rel $0x88, $3  }
0x1: {  	(tag) =	ssettag $0x0;
	lr =	simm.s32 $0x1  }
0x2: {  	[smem:$0x3F8B] =	sst lr;
	_ =	strace $0xD0000000  }
0x3: {  	_ = 	snop  }
0x4: {  	_ = 	snop  }
0x5: {  	_ = 	snop  }
0x6: {  	_ = 	snop  }
0x7: {  	_ = 	snop  }
__scs_overlays_trampoline_lowered:
0x8: {  	[smem:$0x3F9A] =	sst s0  }
0x9: {  	[smem:$0x3F9B] =	sst s1  }
0xa: {  	[smem:$0x3F9C] =	sst s2  }
0xb: {  	[smem:$0x3F9D] =	sst s3  }
0xc: {  	[smem:$0x3F9E] =	sst s4  }
0xd: {  	[smem:$0x3F9F] =	sst s5  }
0xe: {  	[smem:$0x3FA0] =	sst s6  }
0xf: {  	[smem:$0x3FA1] =	sst s7  }
0x10: {  	[smem:$0x3FA2] =	sst s8  }
0x11: {  	[smem:$0x3FA3] =	sst s9;
	s0 =	simm.s32 @!p0 $0x0  }
0x12: {  	s1 =	sld [smem:$0x3F89];
	s0 =	simm.s32 @p0 $0x1  }
0x13: {  	[smem:$0x3FA4] =	sst s0;
	s0 =	simm.s32 @!p1 $0x0  }
0x14: {  	s2 =	sld [smem:$0x3F88];
	s0 =	simm.s32 @p1 $0x1  }
0x15: {  	[smem:$0x3FA5] =	sst s0;
	s0 =	simm.s32 @!p2 $0x0  }
0x16: {  	s3 =	sld [smem:$0x3FDB];
	s0 =	simm.s32 @p2 $0x1  }
0x17: {  	s4 =	simm.s32 $0x1BF5;
	[smem:$0x3FA7] =	sst s0  }
0x18: {  	s0 =	sld [smem:$0x3F8A];
	_ =	swait.ge [sflag:s4], $0x0  }
0x19: {  	s7 =	sld [smem:$0x3F8B]  }
0x1a: {  	s8 =	sadd.s32 $0xFFFFE003, lr  }
0x1b: {  	s9 =	sadd.s32 $0xFFFFFEF7, lr;
	s5 =	simm.s32 $0xFFFFFFFF;
	p2 =	slt.u32 s8, $0xFFFFF086  }
0x1c: {  	p1 =	slt.u32 s9, $0xF7A;
	s5 =	simm.s32 @!p2 $0x0  }
0x1d: {  	s5 =	simm.s32 @p1 $0x1;
	p0 =	seq.s32 s7, s2  }
0x1e: {  	s7 =	smul.u32 @!p0 $0xF7A, s2;
	p2 =	seq.s32 @!p0 s5, $0x0  }
0x1f: {  	s9 =	smul.u32 $0xF7A, s1;
	s8 =	simm.s32 @!p0 $0x1BF5;
	p2 =	por !p2, p0  }
0x20: {  	[sflag:s8] =	ssyncset.s32 @!p0 $0xFFFFF086;
	s6 =	sadd.s32 @!p0 s3, s7;
	s7 =	simm.s32 @!p0 $0x108  }
0x21: {  	s3 =	sadd.s32 s3, s9;
	s6 =	sadd.s32 @!p0 $0x88, s6;
	s7 =	simm.s32 @p2 $0x1082  }
0x22: {  	[simem:s7], [sflag:s8] =	dma.local @!p0 [hbm:s6], $0xF7A  }
0x23: {  	s9 =	sor.u32 $0xD0000000, s2;
	s6 =	simm.s32 $0x108;
	_ =	swait.ge @!p0 [sflag:s8], $0x0  }
0x24: {  	s3 =	sadd.s32 $0x88, s3;
	s6 =	simm.s32 @!p1 $0x1082;
	[sflag:s4] =	ssyncset.s32 $0xFFFFF086  }
0x25: {  	[simem:s6], [sflag:s4] =	dma.local [hbm:s3], $0xF7A  }
0x26: {  	[smem:$0x3F8B] =	sst s1;
	(tag) =	ssettag s2;
	_ =	strace s9  }
0x27: {  	s1 =	sld [smem:$0x3F9B]  }
0x28: {  	s2 =	sld [smem:$0x3F9C]  }
0x29: {  	s4 =	sld [smem:$0x3F9E]  }
0x2a: {  	p0 =	seq.s32 s5, $0x0;
	s5 =	sld [smem:$0x3F9F]  }
0x2b: {  	s6 =	sld [smem:$0x3FA0]  }
0x2c: {  	s7 =	sld [smem:$0x3FA1]  }
0x2d: {  	s3 =	simm.s32 $0x108;
	s8 =	sld [smem:$0x3FA2]  }
0x2e: {  	s3 =	simm.s32 @!p0 $0x1082;
	s9 =	sld [smem:$0x3FA3]  }
0x2f: {  	lr =	sadd.s32 s0, s3;
	s0 =	sld [smem:$0x3F9A]  }
0x30: {  	s3 =	sld [smem:$0x3F9D]  }
0x31: {  	[smem:$0x3FA6] =	sst s10  }
0x32: {  	s10 =	sld [smem:$0x3FA4];
	_ =	sdelay $0x3  }
0x33: {  	p0 =	seq.s32 s10, $0x1;
	s10 =	sld [smem:$0x3FA6];
	_ =	sdelay $0x3  }
0x34: {  	[smem:$0x3FA6] =	sst s10  }
0x35: {  	s10 =	sld [smem:$0x3FA5];
	_ =	sdelay $0x3  }
0x36: {  	p1 =	seq.s32 s10, $0x1;
	s10 =	sld [smem:$0x3FA6];
	_ =	sdelay $0x3  }
0x37: {  	[smem:$0x3FA6] =	sst s10  }
0x38: {  	s10 =	sld [smem:$0x3FA7]  }
0x39: {  	_ = 	snop;
	(pc) =	sbr.ind lr, $3  }
0x3a: {  	_ = 	snop  }
0x3b: {  	_ = 	snop  }
0x3c: {  	p2 =	seq.s32 s10, $0x1;
	s10 =	sld [smem:$0x3FA6]  }
0x3d: {  	_ =	shalt  }
0x3e: {  	_ =	shalt  }
0x3f: {  	_ =	shalt  }
0x40: {  	_ =	shalt  }
0x41: {  	_ =	shalt  }
0x42: {  	_ =	shalt  }
0x43: {  	_ =	shalt  }
0x44: {  	_ =	shalt  }
0x45: {  	_ =	shalt  }
0x46: {  	_ =	shalt  }
0x47: {  	_ =	shalt  }
0x48: {  	_ =	shalt  }
0x49: {  	_ =	shalt  }
0x4a: {  	_ =	shalt  }
0x4b: {  	_ =	shalt  }
0x4c: {  	_ =	shalt  }
0x4d: {  	_ =	shalt  }
0x4e: {  	_ =	shalt  }
0x4f: {  	_ =	shalt  }
0x50: {  	_ =	shalt  }
0x51: {  	_ =	shalt  }
0x52: {  	_ =	shalt  }
0x53: {  	_ =	shalt  }
0x54: {  	_ =	shalt  }
0x55: {  	_ =	shalt  }
0x56: {  	_ =	shalt  }
0x57: {  	_ =	shalt  }
0x58: {  	_ =	shalt  }
0x59: {  	_ =	shalt  }
0x5a: {  	_ =	shalt  }
0x5b: {  	_ =	shalt  }
0x5c: {  	_ =	shalt  }
0x5d: {  	_ =	shalt  }
0x5e: {  	_ =	shalt  }
0x5f: {  	_ =	shalt  }
0x60: {  	_ =	shalt  }
0x61: {  	_ =	shalt  }
0x62: {  	_ =	shalt  }
0x63: {  	_ =	shalt  }
0x64: {  	_ =	shalt  }
0x65: {  	_ =	shalt  }
0x66: {  	_ =	shalt  }
0x67: {  	_ =	shalt  }
0x68: {  	_ =	shalt  }
0x69: {  	_ =	shalt  }
0x6a: {  	_ =	shalt  }
0x6b: {  	_ =	shalt  }
0x6c: {  	_ =	shalt  }
0x6d: {  	_ =	shalt  }
0x6e: {  	_ =	shalt  }
0x6f: {  	_ =	shalt  }
0x70: {  	_ =	shalt  }
0x71: {  	_ =	shalt  }
0x72: {  	_ =	shalt  }
0x73: {  	_ =	shalt  }
0x74: {  	_ =	shalt  }
0x75: {  	_ =	shalt  }
0x76: {  	_ =	shalt  }
0x77: {  	_ =	shalt  }
0x78: {  	_ =	shalt  }
0x79: {  	_ =	shalt  }
0x7a: {  	_ =	shalt  }
0x7b: {  	_ =	shalt  }
0x7c: {  	_ =	shalt  }
0x7d: {  	_ =	shalt  }
0x7e: {  	_ =	shalt  }
0x7f: {  	_ =	shalt  }
0x80: {  	_ =	shalt  }
0x81: {  	_ =	shalt  }
0x82: {  	_ =	shalt  }
0x83: {  	_ =	shalt  }
0x84: {  	_ =	shalt  }
0x85: {  	_ =	shalt  }
0x86: {  	_ =	shalt  }
0x87: {  	_ =	shalt  }
.Lfunc_end0:
.L_simem_size_0:
called_computation_lowered:
.L_overlay_start_0:
0x88: {  	s2 =	sld [smem:$0x3FD9]  }
0x89: {  	s3 =	sld [smem:$0x3FFE];
	_ =	sdelay $0x1  }
0x8a: {  	s1 =	srdreg.scid  }
0x8b: {  	s0 =	sand.u32 $0x1, s1  }
0x8c: {  	s17 =	sshll.u32 s0, $0xA;
	s2 =	sadd.s32 s3, s2  }
0x8d: {  	s2 =	sadd.s32 s2, s17  }
0x8e: {  	[smem:$0x3FB2] =	sst s2  }
0x8f: {  	_ = 	snop  }
0x90: {  	s2 =	sld [smem:$0x3FC8]  }
0x91: {  	s18 =	sld [smem:$0x3FD0];
	(tm) =	ssettm $0x1  }
0x92: {  	s4 =	sld [smem:$0x3FFB];
	_ =	sdelay $0x3  }
0x93: {  	_ =	strace s4  }
0x94: {  	s4 =	sld [smem:$0x3FFC];
	_ =	sdelay $0x3  }
0x95: {  	_ =	strace s4  }
0x96: {  	s4 =	sld [smem:$0x3FFD];
	_ =	sdelay $0x3  }
0x97: {  	_ =	strace s4  }
0x98: {  	_ =	strace $0x8FFFFFFF  }
0x99: {  	s19 =	sld [smem:$0x3FDB];
	_ =	sdelay $0x1  }
0x9a: {  	s5 =	simm.s32 $_scs_section_size  }
0x9b: {  	s6 =	simm.s32 $_size__tile_overlayer_lowered;
	s7 =	simm.s32 $_tile_overlayer_lowered  }
0x9c: {  	s22 =	simm.s32 $0x1BFF;
	s21 =	sshll.u32 s7, $0x1;
	s4 =	sadd.s32 s5, s19  }
0x9d: {  	s8 =	simm.s32 $0x0;
	s20 =	sshll.u32 s6, $0x1;
	s6 =	sadd.s32 s21, s4  }
0x9e: {  	[timem:s8], [sflag:s22] =	dma.local [hbm:s6], s20  }
0x9f: {  	_ =	swait.ge [sflag:s22], s20  }
0xa0: {  	s5 =	ssub.s32 $0x0, s20;
	[sflag:s22] =	ssyncset.done $0x0  }
0xa1: {  	[sflag:s22] =	ssyncadd.s32 s5;
	_ =	sdelay $0x1  }
0xa2: {  	s23 =	simm.s32 $0x1B8B  }
0xa3: {  	_ =	swait.ge [sflag:s23], $0x1  }
0xa4: {  	[sflag:s23] =	ssyncset.done $0x0  }
0xa5: {  	s25 =	simm.s32 $0x1B8E;
	s24 =	sld [smem:$0x3FFE];
	[sflag:s23] =	ssyncadd.s32 $0xFFFFFFFF  }
0xa6: {  	s26 =	simm.s32 $execute0_lowered;
	[smem:$0x3FD2] =	sst s25  }
0xa7: {  	s6 =	sshll.u32 s26, $0x1;
	_ =	strace $0x80000046;
	[dreg:$0x1] =	wrdreg $0xFFFFFFFF  }
0xa8: {  	s28 =	simm.s32 $_size_execute0_lowered;
	s4 =	sadd.s32 s4, s6;
	[dreg:$0x0] =	wrdreg $0x0  }
0xa9: {  	s6 =	sshll.u32 s28, $0x1;
	[dreg:$0x2] =	wrdreg s4  }
0xaa: {  	[dreg:$0x3] =	wrdreg s6  }
0xab: {  	[dreg:$0x4] =	wrdreg $0xC0  }
0xac: {  	_ =	task [dreg:s8], $0x5FFFF  }
0xad: {  	[dreg:$0x1] =	wrdreg $0xFFFFFFFF  }
0xae: {  	[dreg:$0x0] =	wrdreg $0x60  }
0xaf: {  	[dreg:$0x2] =	wrdreg s2  }
0xb0: {  	[dreg:$0x3] =	wrdreg s18  }
0xb1: {  	[dreg:$0x4] =	wrdreg s24  }
0xb2: {  	[dreg:$0x5] =	wrdreg $0x80800  }
0xb3: {  	[dreg:$0x6] =	wrdreg $0x9  }
0xb4: {  	_ =	task.clear_ibuf [dreg:s8], $0x7FFFF;
	_ =	strace $0x90000046  }
0xb5: {  	s29 =	simm.s32 $0x9;
	_ =	strace $0x80000048  }
0xb6: {  	_ =	swait.ge [sflag:s29], $0x1  }
0xb7: {  	[sflag:s29] =	ssyncadd.s32 $0xFFFFFFFF  }
0xb8: {  	_ =	strace $0x90000048  }
0xb9: {  	_ =	sfence  }
0xba: {  	s30 =	sld [smem:$0x0];
	_ =	sdelay $0x2  }
0xbb: {  	s31 =	sshll.u32 s1, $0xD;
	s1 =	sshrl.u32 s1, $0x2  }
0xbc: {  	s3 =	sand.u32 $0x4000, s31;
	s1 =	sadd.s32 s1, s30  }
0xbd: {  	s0 =	sor.u32 s3, s0;
	s1 =	sshll.u32 s1, $0x11  }
0xbe: {  	s0 =	sor.u32 s1, s0  }
0xbf: {  	s0 =	sadd.s32 $0x8F2B, s0  }
0xc0: {  	[sflag:s0] =	ssyncadd.remote.s32 $0x1  }
0xc1: {  	_ =	sfence.sel $0xFFFF  }
0xc2: {  	[dreg:$0x0] =	wrdreg $0xFFFFFFFF;
	(pc) =	sbr.abs _section_cstart, $3  }
0xc3: {  	[dreg:$0x1] =	wrdreg $0xFFFFFFFF  }
0xc4: {  	_ =	task.clear_ibuf [dreg:s8], $0x2FFFF;
	_ =	strace $0x9FFFFFFF  }
0xc5: {  	(tm) =	ssettm $0x7FFFFFFF  }
tec
execute0_lowered:
.L_overlay_start_1:
0x0: {  	(tag) =	ssettag $0x1  }
0x1: {  	s7 =	rddreg [dreg:$0x0]  }
0x2: {  	s8 =	rddreg [dreg:$0x1]  }
0x3: {  	s4 =	rddreg [dreg:$0x2]  }
0x4: {  	s2 =	rddreg [dreg:$0x3]  }
0x5: {  	s0 =	rddreg [dreg:$0x4];
	s5 =	srdreg.scid  }
0x6: {  	s3 =	simm.s32 $0x0;
	s1 =	stileid.u32;
	s15 =	simm.s32 $0x0  }
0x7: {  	s5 =	sand.u32 $0x1, s5;
	[smem:$0x7FF] =	sst s3;
	s6 =	sshll.u32 s1, $0xB  }
0x8: {  	s29 =	sshrl.u32 s1, $0x1;
	s10 =	sshll.u32 s1, $0xA;
	s31 =	sshll.u32 s1, $0xE  }
0x9: {  	s14 =	sshll.u32 s1, $0x6;
	s9 =	ssub.s32 $0x2, s5;
	_ =	strace $0x80000047  }
0xa: {  	s4 =	sadd.s32 s6, s4;
	s11 =	sshll.u32 s5, $0xE;
	s12 =	sshll.u32 s29, $0xB  }
0xb: {  	s10 =	sand.u32 $0x400, s10;
	s13 =	sshll.u32 s29, $0x8;
	s5 =	sshll.u32 s5, $0xF  }
0xc: {  	s28 =	sshrl.u32 s9, $0x1;
	s30 =	sor.u32 s12, s11;
	s5 =	sadd.s32 s5, s4  }
0xd: {  	s4 =	sadd.s32 s31, s2;
	s11 =	simm.s32 $0x4000;
	s12 =	simm.s32 $0x80  }
0xe: {  	v0 =	vmov s13;
	s13 =	sor.u32 $0x1C01, s14;
	s6 =	ssub.s32 s9, s28;
	s9 =	sor.u32 s10, s30  }
0xf: {  	s5 =	sadd.s32 $0x3000, s5;
	s14 =	sshrl.u32 s4, $0x3;
	s10 =	sshll.u32 s9, $0x4  }
0x10: {  	s6 =	smax.u32 s6, $0x1;
	s9 =	sshrl.u32 s9, $0x3;
	s7 =	sadd.s32 s10, s7  }
0x11: {  	v1 =	vimm.f32 $0.0e+00;
	s8 =	sadd.s32 s9, s8;
	s9 =	simm.s32 $0x4080;
	s10 =	simm.s32 $0x1  }
.LBB2_1:
0x12: {  	s16 =	simm.s32 $0x0;
	s17 =	simm.s32 $0x200  }
.LBB2_2:
0x13: {  	p0 =	sne.s32 s17, $0xFE00;
	[tilespmem:s16+$0x40F0] =	vst v1  }
0x14: {  	[tilespmem:s16+$0x4080] =	vst v1  }
0x15: {  	[tilespmem:s16+$0x4090] =	vst v1  }
.Ltmp0:
0x16: {  	[tilespmem:s16+$0x40A0] =	vst v1;
	(pc) =	sbr.rel @p0 .LBB2_2-.Ltmp0, $4  }
0x17: {  	[tilespmem:s16+$0x40B0] =	vst v1  }
0x18: {  	[tilespmem:s16+$0x40C0] =	vst v1  }
0x19: {  	[tilespmem:s16+$0x40D0] =	vst v1  }
0x1a: {  	[tilespmem:s16+$0x40E0] =	vst v1;
	s16 =	sshra.s32 s17, $0x2;
	s17 =	sadd.s32 $0x200, s17  }
0x1b: {  	[tilespmem:s16+$0x40F0] =	vst v1  }
0x1c: {  	[tilespmem:s16+$0x4080] =	vst v1  }
0x1d: {  	[tilespmem:s16+$0x4090] =	vst v1  }
0x1e: {  	[tilespmem:s16+$0x40A0] =	vst v1  }
0x1f: {  	[tilespmem:s16+$0x40B0] =	vst v1  }
0x20: {  	[tilespmem:s16+$0x40C0] =	vst v1  }
0x21: {  	[tilespmem:s16+$0x40D0] =	vst v1  }
0x22: {  	[tilespmem:s16+$0x40E0] =	vst v1  }
0x23: {  	[spmem:s4] =	stream.linear.scatter [tilespmem:s9], [sflag:$0x1], $0x4000, $0x38;
	[tilespmem:$0xC080] =	vst v63  }
0x24: {  	_ =	swait.ge [sflag:s10], $0x4000  }
0x25: {  	[sflag:s10] =	ssyncset.done $0x0  }
0x26: {  	[sflag:s10] =	ssyncadd.s32 $0xFFFFC000  }
0x27: {  	[bflag:$0x0] =	sbarrier.arrive $0xFFFF  }
0x28: {  	[tilespmem:s3], [sflag:$0x1] =	stream.linear.gather [hbm4b:s7+s3], $0x4000, $0x38;
	[tilespmem:$0xC080] =	vst v63  }
0x29: {  	_ =	swait.ge [sflag:s10], $0x4000  }
0x2a: {  	[sflag:s10] =	ssyncset.done $0x0  }
0x2b: {  	s31 =	sadd.s32 $0x0, s8;
	[sflag:s10] =	ssyncadd.s32 $0xFFFFC000  }
0x2c: {  	[tilespmem:s11], [sflag:$0x1] =	stream.linear.gather [hbm4b:s31+s3], $0x80, $0x38;
	[tilespmem:$0xC080] =	vst v63  }
0x2d: {  	_ =	swait.ge [sflag:s10], $0x80  }
0x2e: {  	[sflag:s10] =	ssyncset.done $0x0  }
0x2f: {  	[sflag:s10] =	ssyncadd.s32 $0xFFFFFF80  }
0x30: {  	v2 =	vld [tilespmem:$0x4070]  }
0x31: {  	v3 =	vld [tilespmem:$0x4030]  }
0x32: {  	v4 =	vld [tilespmem:$0x4050]  }
0x33: {  	v5 =	vld [tilespmem:$0x4060]  }
0x34: {  	v6 =	vld [tilespmem:$0x4020]  }
0x35: {  	v2 =	vadd.s32 v0, v2  }
0x36: {  	v3 =	vadd.s32 v0, v3;
	[tilespmem:$0x4070] =	vst v2;
	v2 =	vld [tilespmem:$0x4010]  }
0x37: {  	v4 =	vadd.s32 v0, v4;
	[tilespmem:$0x4030] =	vst v3;
	v3 =	vld [tilespmem:$0x4040]  }
0x38: {  	v7 =	vadd.s32 v0, v5;
	[tilespmem:$0x4050] =	vst v4;
	v4 =	vld [tilespmem:$0x4000]  }
0x39: {  	s16 =	simm.s32 $0x10;
	s17 =	smov.u32 s7;
	v5 =	vadd.s32 v0, v6;
	[tilespmem:$0x4060] =	vst v7  }
.LBB2_4:
0x3a: {  	p0 =	sne.s32 s16, $0x70  }
0x3b: {  	s17 =	sadd.s32 $0x800, s17;
	s18 =	smov.u32 s16;
	s16 =	sadd.s32 $0x10, s16  }
0x3c: {  	[tilespmem:$0x4020] =	vst v5;
	v3 =	vadd.s32 v0, v3  }
0x3d: {  	v2 =	vadd.s32 v0, v2;
	v4 =	vadd.s32 v0, v4;
	[tilespmem:$0x4040] =	vst v3  }
0x3e: {  	[tilespmem:$0x4010] =	vst v2  }
0x3f: {  	[tilespmem:$0x4000] =	vst v4  }
0x40: {  	[spmem:s2] =	stream.indirect.scatter.add.f32 [tilespmem:s3], [sflag:$0x1], $0x80, s11, s12, $0xb8;
	[tilespmem:$0xC080] =	vst v63  }
0x41: {  	_ =	swait.ge [sflag:s10], $0x4000  }
0x42: {  	[sflag:s10] =	ssyncset.done $0x0  }
0x43: {  	[sflag:s10] =	ssyncadd.s32 $0xFFFFC000  }
0x44: {  	[tilespmem:s3], [sflag:$0x1] =	stream.linear.gather [hbm4b:s17+s3], $0x4000, $0x38;
	[tilespmem:$0xC080] =	vst v63  }
0x45: {  	_ =	swait.ge [sflag:s10], $0x4000  }
0x46: {  	[sflag:s10] =	ssyncset.done $0x0  }
0x47: {  	s18 =	sadd.s32 s18, s8;
	[sflag:s10] =	ssyncadd.s32 $0xFFFFC000  }
0x48: {  	[tilespmem:s11], [sflag:$0x1] =	stream.linear.gather [hbm4b:s18+s3], $0x80, $0x38;
	[tilespmem:$0xC080] =	vst v63  }
0x49: {  	_ =	swait.ge [sflag:s10], $0x80  }
0x4a: {  	[sflag:s10] =	ssyncset.done $0x0  }
0x4b: {  	[sflag:s10] =	ssyncadd.s32 $0xFFFFFF80  }
0x4c: {  	v3 =	vld [tilespmem:$0x4070]  }
0x4d: {  	v4 =	vld [tilespmem:$0x4030]  }
0x4e: {  	v5 =	vld [tilespmem:$0x4050]  }
0x4f: {  	v6 =	vld [tilespmem:$0x4060]  }
0x50: {  	v7 =	vld [tilespmem:$0x4020]  }
.Ltmp1:
0x51: {  	v2 =	vld [tilespmem:$0x4010];
	v8 =	vadd.s32 v0, v3;
	(pc) =	sbr.rel @p0 .LBB2_4-.Ltmp1, $4  }
0x52: {  	v9 =	vadd.s32 v0, v4;
	v3 =	vld [tilespmem:$0x4040];
	[tilespmem:$0x4070] =	vst v8  }
0x53: {  	v4 =	vld [tilespmem:$0x4000];
	[tilespmem:$0x4030] =	vst v9;
	v5 =	vadd.s32 v0, v5  }
0x54: {  	[tilespmem:$0x4050] =	vst v5;
	v6 =	vadd.s32 v0, v6  }
0x55: {  	v5 =	vadd.s32 v0, v7;
	[tilespmem:$0x4060] =	vst v6  }
0x56: {  	[tilespmem:$0x4020] =	vst v5;
	v2 =	vadd.s32 v0, v2  }
0x57: {  	v3 =	vadd.s32 v0, v3;
	[tilespmem:$0x4010] =	vst v2  }
0x58: {  	[tilespmem:$0x4040] =	vst v3;
	v3 =	vadd.s32 v0, v4  }
0x59: {  	[tilespmem:$0x4000] =	vst v3  }
0x5a: {  	[spmem:s2] =	stream.indirect.scatter.add.f32 [tilespmem:s3], [sflag:$0x1], $0x80, s11, s12, $0xb8;
	[tilespmem:$0xC080] =	vst v63  }
0x5b: {  	_ =	swait.ge [sflag:s10], $0x4000  }
0x5c: {  	s15 =	sadd.s32 $0x1, s15;
	[sflag:s10] =	ssyncset.done $0x0  }
0x5d: {  	p0 =	sne.s32 s15, s6;
	[sflag:s10] =	ssyncadd.s32 $0xFFFFC000  }
.Ltmp2:
0x5e: {  	[bflag:$0x0] =	sbarrier.arrive $0xFFFF;
	(pc) =	sbr.rel @p0 .LBB2_1-.Ltmp2, $4  }
0x5f: {  	[hbm:s5], [sflag:s13] =	dma.local [spmem:s14], $0x800  }
0x60: {  	_ =	swait.ge [sflag:s10], $0x800  }
0x61: {  	[sflag:s10] =	ssyncset.done $0x0  }
0x62: {  	[sflag:s10] =	ssyncadd.s32 $0xFFFFF800  }
0x63: {  	_ =	sfence.sel $0x180000  }
0x64: {  	[bflag:$0x0] =	sbarrier.arrive $0xFFFF  }
0x65: {  	p0 =	sne.s32 s1, $0x0;
	_ =	strace $0x90000047  }
0x66: {  	s0 =	sadd.s32 @!p0 $0x100000, s0;
	[bflag:$0x2] =	sbarrier.arrive $0xFFFF  }
0x67: {  	[sflag:s0] =	ssyncadd.tile.s32 @!p0 $0x1;
	_ =	shalt  }
.Lfunc_end2:
_tile_overlayer_lowered:
.L_overlay_start_2:
0x68: {  	(tag) =	ssettag $0x2  }
0x69: {  	s0 =	rddreg [dreg:$0x0];
	s2 =	stileid.u32  }
0x6a: {  	s1 =	rddreg [dreg:$0x1];
	p0 =	sne.s32 s2, $0x0  }
0x6b: {  	s3 =	rddreg [dreg:$0x2];
	[bflag:$0x3] =	sbarrier.arrive $0xFFFF;
	s2 =	simm.s32 @!p0 $0x1C01  }
0x6c: {  	[timem:s3], [sflag:s2] =	dma.local @!p0 [hbm:s0], s1  }
0x6d: {  	s0 =	simm.s32 @!p0 $0x1  }
0x6e: {  	_ =	swait.ge @!p0 [sflag:s0], s1  }
0x6f: {  	s1 =	ssub.s32 @!p0 $0x0, s1;
	[sflag:s0] =	ssyncset.done @!p0 $0x0  }
0x70: {  	[sflag:s0] =	ssyncadd.s32 @!p0 s1  }
0x71: {  	[bflag:$0x3] =	sbarrier.arrive $0xFFFF  }
0x72: {  	_ =	shalt  }

</sc_bundles>
